<compile_context>
chip_gen: v7x
topology: tpu7x:2x2x1
jax: 0.10.2.dev20260603
libtpu: 0.0.44.dev20260713+nightly
codegen_flags: <defaults>
</compile_context>

<pallas_src>
import functools

import jax
import jax.numpy as jnp
from jax import lax
from jax.experimental import pallas as pl
from jax.experimental.pallas import tpu as pltpu
from jax.experimental.pallas import tpu_sc as plsc

VOCAB = 1000
VPAD = 1024
BT = 51200
NC, NS = 2, 16
NW = NC * NS
PER_TILE = BT // NW
CHUNK = 40
NCHUNK = PER_TILE // CHUNK
LGRP = 128


def _row_logsumexp(table):

    def body(t_ref, o_ref):
        x = t_ref[...]
        m = jnp.max(x, axis=1, keepdims=True)
        s = jnp.sum(jnp.exp(x - m), axis=1, keepdims=True)
        o_ref[...] = jnp.log(s) + m

    return pl.pallas_call(
        body,
        out_shape=jax.ShapeDtypeStruct((VOCAB, 1), jnp.float32),
    )(table)


def _sc_gather_and_loss(idx_flat, idx2_flat, table_pad, table_flat, lse):
    mesh = plsc.VectorSubcoreMesh(core_axis_name="c", subcore_axis_name="s")

    @functools.partial(
        pl.kernel,
        mesh=mesh,
        out_type=[
            jax.ShapeDtypeStruct((BT, VPAD), jnp.float32),
            jax.ShapeDtypeStruct((NW, 16), jnp.float32),
        ],
        scratch_types=[
            pltpu.VMEM((PER_TILE,), jnp.int32),
            pltpu.VMEM((PER_TILE,), jnp.int32),
            pltpu.VMEM((CHUNK, VPAD), jnp.float32),
            pltpu.VMEM((CHUNK, VPAD), jnp.float32),
            pltpu.VMEM((PER_TILE,), jnp.float32),
            pltpu.VMEM((PER_TILE,), jnp.float32),
            pltpu.VMEM((16,), jnp.float32),
            pltpu.SemaphoreType.DMA,
            pltpu.SemaphoreType.DMA,
            pltpu.SemaphoreType.DMA,
            pltpu.SemaphoreType.DMA,
            pltpu.SemaphoreType.DMA,
        ],
    )
    def k(idx_hbm, idx2_hbm, table_hbm, tflat_hbm, lse_hbm,
          out_hbm, part_hbm,
          idx_v, idx2_v, pad0_v, pad1_v, tl_v, ls_v, acc_v,
          sem_g0, sem_g1, sem_s0, sem_s1, sem_e):
        pads = (pad0_v, pad1_v)
        sem_g = (sem_g0, sem_g1)
        sem_s = (sem_s0, sem_s1)
        wid = lax.axis_index("s") * NC + lax.axis_index("c")
        base = wid * PER_TILE
        pltpu.sync_copy(idx_hbm.at[pl.ds(base, PER_TILE)], idx_v)
        pltpu.sync_copy(idx2_hbm.at[pl.ds(base, PER_TILE)], idx2_v)

        def gather_rows(c, b, start):
            cp = pltpu.make_async_copy(
                table_hbm.at[idx_v.at[pl.ds(c * CHUNK, CHUNK)]],
                pads[b], sem_g[b],
            )
            if start:
                cp.start()
            return cp

        gather_rows(0, 0, True)
        gather_rows(1, 1, True)

        elem_cps = []
        for og in range(0, PER_TILE, LGRP):
            n = min(LGRP, PER_TILE - og)
            elem_cps.append(pltpu.async_copy(
                tflat_hbm.at[idx2_v.at[pl.ds(og, n)]],
                tl_v.at[pl.ds(og, n)], sem_e,
            ))
            elem_cps.append(pltpu.async_copy(
                lse_hbm.at[idx_v.at[pl.ds(og, n)]],
                ls_v.at[pl.ds(og, n)], sem_e,
            ))

        def pair_body(p, carry):
            for b in range(2):
                c = 2 * p + b
                o = c * CHUNK
                gather_rows(c, b, False).wait()
                pltpu.async_copy(
                    pads[b],
                    out_hbm.at[pl.ds(base + o, CHUNK)],
                    sem_s[b],
                ).wait()
                @pl.when(c + 2 < NCHUNK)
                def _():
                    gather_rows(c + 2, b, True)
            return carry

        lax.fori_loop(0, NCHUNK // 2, pair_body, 0)

        for cp in elem_cps:
            cp.wait()

        def loss_body(g, acc):
            og = g * 16
            return acc + (ls_v[pl.ds(og, 16)] - tl_v[pl.ds(og, 16)])

        acc = lax.fori_loop(
            0, PER_TILE // 16, loss_body, jnp.zeros((16,), jnp.float32)
        )
        acc_v[...] = acc * (1.0 / BT)
        pltpu.sync_copy(acc_v, part_hbm.at[wid])

    return k(idx_flat, idx2_flat, table_pad, table_flat, lse)


def kernel(index, targets, token_embedding_table):
    idx_flat = jnp.transpose(index).reshape(-1)
    tgt_flat = targets.reshape(-1)
    idx2_flat = idx_flat * VOCAB + tgt_flat
    lse = _row_logsumexp(token_embedding_table).reshape(VOCAB)
    table_pad = jnp.pad(token_embedding_table, ((0, 0), (0, VPAD - VOCAB)))
    logits_pad, part = _sc_gather_and_loss(
        idx_flat, idx2_flat, table_pad,
        token_embedding_table.reshape(-1), lse
    )
    loss = jnp.sum(part)
    return (logits_pad[:, :VOCAB], loss)

# --- scband reference (transcript-rebuilt; emitter-appended) ---
"""Pipeline reference for scband-bigram-language-model-24283745091753 (READ-ONLY COPY).

The authoritative reference and input builder live on the scoring server;
editing this copy changes nothing except your own understanding.
"""

import jax, jax.numpy as jnp
import numpy as np

VOCAB = 1000
B_IN = 1024
T_IN = 50


def setup_inputs(seed: int = 0) -> dict:
    key = jax.random.key(seed)
    k1, k2, k3 = jax.random.split(key, 3)
    index = jax.random.randint(k1, (B_IN, T_IN), 0, VOCAB, dtype=jnp.int32)
    targets = jax.random.randint(k2, (B_IN, T_IN), 0, VOCAB, dtype=jnp.int32)
    token_embedding_table = jax.random.normal(k3, (VOCAB, VOCAB), dtype=jnp.float32) * 0.02
    return {"index": index, "targets": targets, "token_embedding_table": token_embedding_table}


def reference(index, targets, token_embedding_table):
    # index = index.transpose(0, 1).contiguous()
    idx = jnp.transpose(index, (1, 0))  # [T_IN, B_IN]
    # logits = self.token_embedding_table(index)
    logits = jnp.take(token_embedding_table, idx, axis=0)  # [T_IN, B_IN, VOCAB]
    B, T, C = logits.shape
    logits = logits.reshape(B * T, C)
    t = targets.reshape(B * T)
    # F.cross_entropy with mean reduction
    logp = jax.nn.log_softmax(logits, axis=-1)
    nll = -jnp.take_along_axis(logp, t[:, None], axis=1)[:, 0]
    loss = jnp.mean(nll)
    return (logits, loss)

if __name__ == "__main__":
    import jax
    _d = setup_inputs()
    print(jax.jit(kernel)(*tuple(_d.values())))

</pallas_src>

<mosaic_0001>
#map = affine_map<(d0, d1) -> (0)>
#map1 = affine_map<(d0, d1) -> (0, 0)>
module attributes {stable_mosaic.version = 14 : i64} {
  func.func @k(%arg0: i32, %arg1: i32, %arg2: memref<51200xi32, #tpu.memory_space<hbm>>, %arg3: memref<51200xi32, #tpu.memory_space<hbm>>, %arg4: memref<1000x1024xf32, #tpu.memory_space<hbm>>, %arg5: memref<1000000xf32, #tpu.memory_space<hbm>>, %arg6: memref<1000xf32, #tpu.memory_space<hbm>>, %arg7: memref<51200x1024xf32, #tpu.memory_space<hbm>>, %arg8: memref<32x16xf32, #tpu.memory_space<hbm>>, %arg9: memref<1600xi32, #tpu.memory_space<vmem>>, %arg10: memref<1600xi32, #tpu.memory_space<vmem>>, %arg11: memref<40x1024xf32, #tpu.memory_space<vmem>>, %arg12: memref<40x1024xf32, #tpu.memory_space<vmem>>, %arg13: memref<1600xf32, #tpu.memory_space<vmem>>, %arg14: memref<1600xf32, #tpu.memory_space<vmem>>, %arg15: memref<16xf32, #tpu.memory_space<vmem>>, %arg16: memref<!tpu.dma_semaphore, #tpu.memory_space<semaphore_mem>>, %arg17: memref<!tpu.dma_semaphore, #tpu.memory_space<semaphore_mem>>, %arg18: memref<!tpu.dma_semaphore, #tpu.memory_space<semaphore_mem>>, %arg19: memref<!tpu.dma_semaphore, #tpu.memory_space<semaphore_mem>>, %arg20: memref<!tpu.dma_semaphore, #tpu.memory_space<semaphore_mem>>) attributes {dimension_semantics = [#tpu.dimension_semantics<core_parallel>, #tpu.dimension_semantics<subcore_parallel>], iteration_bounds = array<i64: 2, 16>, scalar_prefetch = 0 : i64, scratch_operands = 12 : i64, tpu.core_type = #tpu.core_type<sc_vector_subcore>, window_params = [{transform_indices = #map}, {transform_indices = #map}, {transform_indices = #map1}, {transform_indices = #map}, {transform_indices = #map}, {transform_indices = #map1}, {transform_indices = #map1}]} {
    %mul3A = arith.constant 2 : i32
    %mul3A_0 = arith.muli %arg1, %mul3A : i32
    %add3A = arith.addi %mul3A_0, %arg0 : i32
    %mul3A_1 = arith.constant 1600 : i32
    %mul3A_2 = arith.muli %add3A, %mul3A_1 : i32
    "tpu.region"() ({
      %run_scoped3A = tpu.sem_alloc : memref<!tpu.dma_semaphore, #tpu.memory_space<semaphore_mem>>
      %dma_start3A_341 = tpu.memref_slice %arg2[%mul3A_2] : memref<51200xi32, #tpu.memory_space<hbm>> -> memref<1600xi32, #tpu.memory_space<hbm>>
      %dma_start3A_342 = tpu.memref_slice %arg2[%mul3A_2] : memref<51200xi32, #tpu.memory_space<hbm>> -> memref<1600xi32, #tpu.memory_space<hbm>>
      tpu.enqueue_dma source(%dma_start3A_342 : memref<1600xi32, #tpu.memory_space<hbm>>) target(%arg9 : memref<1600xi32, #tpu.memory_space<vmem>>) target_semaphore(%run_scoped3A : memref<!tpu.dma_semaphore, #tpu.memory_space<semaphore_mem>>)
      %dma_wait3A_343 = tpu.memref_slice %arg2[%mul3A_2] : memref<51200xi32, #tpu.memory_space<hbm>> -> memref<1600xi32, #tpu.memory_space<hbm>>
      %dma_wait3A_344 = tpu.memref_slice %arg2[%mul3A_2] : memref<51200xi32, #tpu.memory_space<hbm>> -> memref<1600xi32, #tpu.memory_space<hbm>>
      tpu.wait_dma2 semaphore(%run_scoped3A : memref<!tpu.dma_semaphore, #tpu.memory_space<semaphore_mem>>) src(%dma_wait3A_344 : memref<1600xi32, #tpu.memory_space<hbm>>) dst(%arg9 : memref<1600xi32, #tpu.memory_space<vmem>>)
      tpu.yield
    }) : () -> ()
    "tpu.region"() ({
      %run_scoped3A = tpu.sem_alloc : memref<!tpu.dma_semaphore, #tpu.memory_space<semaphore_mem>>
      %dma_start3A_341 = tpu.memref_slice %arg3[%mul3A_2] : memref<51200xi32, #tpu.memory_space<hbm>> -> memref<1600xi32, #tpu.memory_space<hbm>>
      %dma_start3A_342 = tpu.memref_slice %arg3[%mul3A_2] : memref<51200xi32, #tpu.memory_space<hbm>> -> memref<1600xi32, #tpu.memory_space<hbm>>
      tpu.enqueue_dma source(%dma_start3A_342 : memref<1600xi32, #tpu.memory_space<hbm>>) target(%arg10 : memref<1600xi32, #tpu.memory_space<vmem>>) target_semaphore(%run_scoped3A : memref<!tpu.dma_semaphore, #tpu.memory_space<semaphore_mem>>)
      %dma_wait3A_343 = tpu.memref_slice %arg3[%mul3A_2] : memref<51200xi32, #tpu.memory_space<hbm>> -> memref<1600xi32, #tpu.memory_space<hbm>>
      %dma_wait3A_344 = tpu.memref_slice %arg3[%mul3A_2] : memref<51200xi32, #tpu.memory_space<hbm>> -> memref<1600xi32, #tpu.memory_space<hbm>>
      tpu.wait_dma2 semaphore(%run_scoped3A : memref<!tpu.dma_semaphore, #tpu.memory_space<semaphore_mem>>) src(%dma_wait3A_344 : memref<1600xi32, #tpu.memory_space<hbm>>) dst(%arg10 : memref<1600xi32, #tpu.memory_space<vmem>>)
      tpu.yield
    }) : () -> ()
    %dma_start3A = arith.constant 0 : i32
    %dma_start3A_3 = tpu.memref_slice %arg9[%dma_start3A] : memref<1600xi32, #tpu.memory_space<vmem>> -> memref<40xi32, #tpu.memory_space<vmem>>
    %dma_start3A_4 = arith.constant 0 : i32
    %dma_start3A_5 = arith.constant 0 : i32
    %dma_start3A_6 = tpu.memref_slice %arg4[%dma_start3A_4, %dma_start3A_5] : memref<1000x1024xf32, #tpu.memory_space<hbm>> -> memref<1000x1024xf32, #tpu.memory_space<hbm>>
    tpu.enqueue_indirect_dma source(%dma_start3A_6 : memref<1000x1024xf32, #tpu.memory_space<hbm>>) target(%arg11 : memref<40x1024xf32, #tpu.memory_space<vmem>>) offsets(%dma_start3A_3 : memref<40xi32, #tpu.memory_space<vmem>>) semaphore(%arg16 : memref<!tpu.dma_semaphore, #tpu.memory_space<semaphore_mem>>)
    %dma_start3A_7 = arith.constant 40 : i32
    %dma_start3A_8 = tpu.memref_slice %arg9[%dma_start3A_7] : memref<1600xi32, #tpu.memory_space<vmem>> -> memref<40xi32, #tpu.memory_space<vmem>>
    %dma_start3A_9 = arith.constant 0 : i32
    %dma_start3A_10 = arith.constant 0 : i32
    %dma_start3A_11 = tpu.memref_slice %arg4[%dma_start3A_9, %dma_start3A_10] : memref<1000x1024xf32, #tpu.memory_space<hbm>> -> memref<1000x1024xf32, #tpu.memory_space<hbm>>
    tpu.enqueue_indirect_dma source(%dma_start3A_11 : memref<1000x1024xf32, #tpu.memory_space<hbm>>) target(%arg12 : memref<40x1024xf32, #tpu.memory_space<vmem>>) offsets(%dma_start3A_8 : memref<40xi32, #tpu.memory_space<vmem>>) semaphore(%arg17 : memref<!tpu.dma_semaphore, #tpu.memory_space<semaphore_mem>>)
    %dma_start3A_12 = arith.constant 0 : i32
    %dma_start3A_13 = tpu.memref_slice %arg13[%dma_start3A_12] : memref<1600xf32, #tpu.memory_space<vmem>> -> memref<128xf32, #tpu.memory_space<vmem>>
    %dma_start3A_14 = arith.constant 0 : i32
    %dma_start3A_15 = tpu.memref_slice %arg10[%dma_start3A_14] : memref<1600xi32, #tpu.memory_space<vmem>> -> memref<128xi32, #tpu.memory_space<vmem>>
    %dma_start3A_16 = arith.constant 0 : i32
    %dma_start3A_17 = tpu.memref_slice %arg5[%dma_start3A_16] : memref<1000000xf32, #tpu.memory_space<hbm>> -> memref<1000000xf32, #tpu.memory_space<hbm>>
    tpu.enqueue_indirect_dma source(%dma_start3A_17 : memref<1000000xf32, #tpu.memory_space<hbm>>) target(%dma_start3A_13 : memref<128xf32, #tpu.memory_space<vmem>>) offsets(%dma_start3A_15 : memref<128xi32, #tpu.memory_space<vmem>>) semaphore(%arg20 : memref<!tpu.dma_semaphore, #tpu.memory_space<semaphore_mem>>)
    %dma_start3A_18 = arith.constant 0 : i32
    %dma_start3A_19 = tpu.memref_slice %arg14[%dma_start3A_18] : memref<1600xf32, #tpu.memory_space<vmem>> -> memref<128xf32, #tpu.memory_space<vmem>>
    %dma_start3A_20 = arith.constant 0 : i32
    %dma_start3A_21 = tpu.memref_slice %arg9[%dma_start3A_20] : memref<1600xi32, #tpu.memory_space<vmem>> -> memref<128xi32, #tpu.memory_space<vmem>>
    %dma_start3A_22 = arith.constant 0 : i32
    %dma_start3A_23 = tpu.memref_slice %arg6[%dma_start3A_22] : memref<1000xf32, #tpu.memory_space<hbm>> -> memref<1000xf32, #tpu.memory_space<hbm>>
    tpu.enqueue_indirect_dma source(%dma_start3A_23 : memref<1000xf32, #tpu.memory_space<hbm>>) target(%dma_start3A_19 : memref<128xf32, #tpu.memory_space<vmem>>) offsets(%dma_start3A_21 : memref<128xi32, #tpu.memory_space<vmem>>) semaphore(%arg20 : memref<!tpu.dma_semaphore, #tpu.memory_space<semaphore_mem>>)
    %dma_start3A_24 = arith.constant 128 : i32
    %dma_start3A_25 = tpu.memref_slice %arg13[%dma_start3A_24] : memref<1600xf32, #tpu.memory_space<vmem>> -> memref<128xf32, #tpu.memory_space<vmem>>
    %dma_start3A_26 = arith.constant 128 : i32
    %dma_start3A_27 = tpu.memref_slice %arg10[%dma_start3A_26] : memref<1600xi32, #tpu.memory_space<vmem>> -> memref<128xi32, #tpu.memory_space<vmem>>
    %dma_start3A_28 = arith.constant 0 : i32
    %dma_start3A_29 = tpu.memref_slice %arg5[%dma_start3A_28] : memref<1000000xf32, #tpu.memory_space<hbm>> -> memref<1000000xf32, #tpu.memory_space<hbm>>
    tpu.enqueue_indirect_dma source(%dma_start3A_29 : memref<1000000xf32, #tpu.memory_space<hbm>>) target(%dma_start3A_25 : memref<128xf32, #tpu.memory_space<vmem>>) offsets(%dma_start3A_27 : memref<128xi32, #tpu.memory_space<vmem>>) semaphore(%arg20 : memref<!tpu.dma_semaphore, #tpu.memory_space<semaphore_mem>>)
    %dma_start3A_30 = arith.constant 128 : i32
    %dma_start3A_31 = tpu.memref_slice %arg14[%dma_start3A_30] : memref<1600xf32, #tpu.memory_space<vmem>> -> memref<128xf32, #tpu.memory_space<vmem>>
    %dma_start3A_32 = arith.constant 128 : i32
    %dma_start3A_33 = tpu.memref_slice %arg9[%dma_start3A_32] : memref<1600xi32, #tpu.memory_space<vmem>> -> memref<128xi32, #tpu.memory_space<vmem>>
    %dma_start3A_34 = arith.constant 0 : i32
    %dma_start3A_35 = tpu.memref_slice %arg6[%dma_start3A_34] : memref<1000xf32, #tpu.memory_space<hbm>> -> memref<1000xf32, #tpu.memory_space<hbm>>
    tpu.enqueue_indirect_dma source(%dma_start3A_35 : memref<1000xf32, #tpu.memory_space<hbm>>) target(%dma_start3A_31 : memref<128xf32, #tpu.memory_space<vmem>>) offsets(%dma_start3A_33 : memref<128xi32, #tpu.memory_space<vmem>>) semaphore(%arg20 : memref<!tpu.dma_semaphore, #tpu.memory_space<semaphore_mem>>)
    %dma_start3A_36 = arith.constant 256 : i32
    %dma_start3A_37 = tpu.memref_slice %arg13[%dma_start3A_36] : memref<1600xf32, #tpu.memory_space<vmem>> -> memref<128xf32, #tpu.memory_space<vmem>>
    %dma_start3A_38 = arith.constant 256 : i32
    %dma_start3A_39 = tpu.memref_slice %arg10[%dma_start3A_38] : memref<1600xi32, #tpu.memory_space<vmem>> -> memref<128xi32, #tpu.memory_space<vmem>>
    %dma_start3A_40 = arith.constant 0 : i32
    %dma_start3A_41 = tpu.memref_slice %arg5[%dma_start3A_40] : memref<1000000xf32, #tpu.memory_space<hbm>> -> memref<1000000xf32, #tpu.memory_space<hbm>>
    tpu.enqueue_indirect_dma source(%dma_start3A_41 : memref<1000000xf32, #tpu.memory_space<hbm>>) target(%dma_start3A_37 : memref<128xf32, #tpu.memory_space<vmem>>) offsets(%dma_start3A_39 : memref<128xi32, #tpu.memory_space<vmem>>) semaphore(%arg20 : memref<!tpu.dma_semaphore, #tpu.memory_space<semaphore_mem>>)
    %dma_start3A_42 = arith.constant 256 : i32
    %dma_start3A_43 = tpu.memref_slice %arg14[%dma_start3A_42] : memref<1600xf32, #tpu.memory_space<vmem>> -> memref<128xf32, #tpu.memory_space<vmem>>
    %dma_start3A_44 = arith.constant 256 : i32
    %dma_start3A_45 = tpu.memref_slice %arg9[%dma_start3A_44] : memref<1600xi32, #tpu.memory_space<vmem>> -> memref<128xi32, #tpu.memory_space<vmem>>
    %dma_start3A_46 = arith.constant 0 : i32
    %dma_start3A_47 = tpu.memref_slice %arg6[%dma_start3A_46] : memref<1000xf32, #tpu.memory_space<hbm>> -> memref<1000xf32, #tpu.memory_space<hbm>>
    tpu.enqueue_indirect_dma source(%dma_start3A_47 : memref<1000xf32, #tpu.memory_space<hbm>>) target(%dma_start3A_43 : memref<128xf32, #tpu.memory_space<vmem>>) offsets(%dma_start3A_45 : memref<128xi32, #tpu.memory_space<vmem>>) semaphore(%arg20 : memref<!tpu.dma_semaphore, #tpu.memory_space<semaphore_mem>>)
    %dma_start3A_48 = arith.constant 384 : i32
    %dma_start3A_49 = tpu.memref_slice %arg13[%dma_start3A_48] : memref<1600xf32, #tpu.memory_space<vmem>> -> memref<128xf32, #tpu.memory_space<vmem>>
    %dma_start3A_50 = arith.constant 384 : i32
    %dma_start3A_51 = tpu.memref_slice %arg10[%dma_start3A_50] : memref<1600xi32, #tpu.memory_space<vmem>> -> memref<128xi32, #tpu.memory_space<vmem>>
    %dma_start3A_52 = arith.constant 0 : i32
    %dma_start3A_53 = tpu.memref_slice %arg5[%dma_start3A_52] : memref<1000000xf32, #tpu.memory_space<hbm>> -> memref<1000000xf32, #tpu.memory_space<hbm>>
    tpu.enqueue_indirect_dma source(%dma_start3A_53 : memref<1000000xf32, #tpu.memory_space<hbm>>) target(%dma_start3A_49 : memref<128xf32, #tpu.memory_space<vmem>>) offsets(%dma_start3A_51 : memref<128xi32, #tpu.memory_space<vmem>>) semaphore(%arg20 : memref<!tpu.dma_semaphore, #tpu.memory_space<semaphore_mem>>)
    %dma_start3A_54 = arith.constant 384 : i32
    %dma_start3A_55 = tpu.memref_slice %arg14[%dma_start3A_54] : memref<1600xf32, #tpu.memory_space<vmem>> -> memref<128xf32, #tpu.memory_space<vmem>>
    %dma_start3A_56 = arith.constant 384 : i32
    %dma_start3A_57 = tpu.memref_slice %arg9[%dma_start3A_56] : memref<1600xi32, #tpu.memory_space<vmem>> -> memref<128xi32, #tpu.memory_space<vmem>>
    %dma_start3A_58 = arith.constant 0 : i32
    %dma_start3A_59 = tpu.memref_slice %arg6[%dma_start3A_58] : memref<1000xf32, #tpu.memory_space<hbm>> -> memref<1000xf32, #tpu.memory_space<hbm>>
    tpu.enqueue_indirect_dma source(%dma_start3A_59 : memref<1000xf32, #tpu.memory_space<hbm>>) target(%dma_start3A_55 : memref<128xf32, #tpu.memory_space<vmem>>) offsets(%dma_start3A_57 : memref<128xi32, #tpu.memory_space<vmem>>) semaphore(%arg20 : memref<!tpu.dma_semaphore, #tpu.memory_space<semaphore_mem>>)
    %dma_start3A_60 = arith.constant 512 : i32
    %dma_start3A_61 = tpu.memref_slice %arg13[%dma_start3A_60] : memref<1600xf32, #tpu.memory_space<vmem>> -> memref<128xf32, #tpu.memory_space<vmem>>
    %dma_start3A_62 = arith.constant 512 : i32
    %dma_start3A_63 = tpu.memref_slice %arg10[%dma_start3A_62] : memref<1600xi32, #tpu.memory_space<vmem>> -> memref<128xi32, #tpu.memory_space<vmem>>
    %dma_start3A_64 = arith.constant 0 : i32
    %dma_start3A_65 = tpu.memref_slice %arg5[%dma_start3A_64] : memref<1000000xf32, #tpu.memory_space<hbm>> -> memref<1000000xf32, #tpu.memory_space<hbm>>
    tpu.enqueue_indirect_dma source(%dma_start3A_65 : memref<1000000xf32, #tpu.memory_space<hbm>>) target(%dma_start3A_61 : memref<128xf32, #tpu.memory_space<vmem>>) offsets(%dma_start3A_63 : memref<128xi32, #tpu.memory_space<vmem>>) semaphore(%arg20 : memref<!tpu.dma_semaphore, #tpu.memory_space<semaphore_mem>>)
    %dma_start3A_66 = arith.constant 512 : i32
    %dma_start3A_67 = tpu.memref_slice %arg14[%dma_start3A_66] : memref<1600xf32, #tpu.memory_space<vmem>> -> memref<128xf32, #tpu.memory_space<vmem>>
    %dma_start3A_68 = arith.constant 512 : i32
    %dma_start3A_69 = tpu.memref_slice %arg9[%dma_start3A_68] : memref<1600xi32, #tpu.memory_space<vmem>> -> memref<128xi32, #tpu.memory_space<vmem>>
    %dma_start3A_70 = arith.constant 0 : i32
    %dma_start3A_71 = tpu.memref_slice %arg6[%dma_start3A_70] : memref<1000xf32, #tpu.memory_space<hbm>> -> memref<1000xf32, #tpu.memory_space<hbm>>
    tpu.enqueue_indirect_dma source(%dma_start3A_71 : memref<1000xf32, #tpu.memory_space<hbm>>) target(%dma_start3A_67 : memref<128xf32, #tpu.memory_space<vmem>>) offsets(%dma_start3A_69 : memref<128xi32, #tpu.memory_space<vmem>>) semaphore(%arg20 : memref<!tpu.dma_semaphore, #tpu.memory_space<semaphore_mem>>)
    %dma_start3A_72 = arith.constant 640 : i32
    %dma_start3A_73 = tpu.memref_slice %arg13[%dma_start3A_72] : memref<1600xf32, #tpu.memory_space<vmem>> -> memref<128xf32, #tpu.memory_space<vmem>>
    %dma_start3A_74 = arith.constant 640 : i32
    %dma_start3A_75 = tpu.memref_slice %arg10[%dma_start3A_74] : memref<1600xi32, #tpu.memory_space<vmem>> -> memref<128xi32, #tpu.memory_space<vmem>>
    %dma_start3A_76 = arith.constant 0 : i32
    %dma_start3A_77 = tpu.memref_slice %arg5[%dma_start3A_76] : memref<1000000xf32, #tpu.memory_space<hbm>> -> memref<1000000xf32, #tpu.memory_space<hbm>>
    tpu.enqueue_indirect_dma source(%dma_start3A_77 : memref<1000000xf32, #tpu.memory_space<hbm>>) target(%dma_start3A_73 : memref<128xf32, #tpu.memory_space<vmem>>) offsets(%dma_start3A_75 : memref<128xi32, #tpu.memory_space<vmem>>) semaphore(%arg20 : memref<!tpu.dma_semaphore, #tpu.memory_space<semaphore_mem>>)
    %dma_start3A_78 = arith.constant 640 : i32
    %dma_start3A_79 = tpu.memref_slice %arg14[%dma_start3A_78] : memref<1600xf32, #tpu.memory_space<vmem>> -> memref<128xf32, #tpu.memory_space<vmem>>
    %dma_start3A_80 = arith.constant 640 : i32
    %dma_start3A_81 = tpu.memref_slice %arg9[%dma_start3A_80] : memref<1600xi32, #tpu.memory_space<vmem>> -> memref<128xi32, #tpu.memory_space<vmem>>
    %dma_start3A_82 = arith.constant 0 : i32
    %dma_start3A_83 = tpu.memref_slice %arg6[%dma_start3A_82] : memref<1000xf32, #tpu.memory_space<hbm>> -> memref<1000xf32, #tpu.memory_space<hbm>>
    tpu.enqueue_indirect_dma source(%dma_start3A_83 : memref<1000xf32, #tpu.memory_space<hbm>>) target(%dma_start3A_79 : memref<128xf32, #tpu.memory_space<vmem>>) offsets(%dma_start3A_81 : memref<128xi32, #tpu.memory_space<vmem>>) semaphore(%arg20 : memref<!tpu.dma_semaphore, #tpu.memory_space<semaphore_mem>>)
    %dma_start3A_84 = arith.constant 768 : i32
    %dma_start3A_85 = tpu.memref_slice %arg13[%dma_start3A_84] : memref<1600xf32, #tpu.memory_space<vmem>> -> memref<128xf32, #tpu.memory_space<vmem>>
    %dma_start3A_86 = arith.constant 768 : i32
    %dma_start3A_87 = tpu.memref_slice %arg10[%dma_start3A_86] : memref<1600xi32, #tpu.memory_space<vmem>> -> memref<128xi32, #tpu.memory_space<vmem>>
    %dma_start3A_88 = arith.constant 0 : i32
    %dma_start3A_89 = tpu.memref_slice %arg5[%dma_start3A_88] : memref<1000000xf32, #tpu.memory_space<hbm>> -> memref<1000000xf32, #tpu.memory_space<hbm>>
    tpu.enqueue_indirect_dma source(%dma_start3A_89 : memref<1000000xf32, #tpu.memory_space<hbm>>) target(%dma_start3A_85 : memref<128xf32, #tpu.memory_space<vmem>>) offsets(%dma_start3A_87 : memref<128xi32, #tpu.memory_space<vmem>>) semaphore(%arg20 : memref<!tpu.dma_semaphore, #tpu.memory_space<semaphore_mem>>)
    %dma_start3A_90 = arith.constant 768 : i32
    %dma_start3A_91 = tpu.memref_slice %arg14[%dma_start3A_90] : memref<1600xf32, #tpu.memory_space<vmem>> -> memref<128xf32, #tpu.memory_space<vmem>>
    %dma_start3A_92 = arith.constant 768 : i32
    %dma_start3A_93 = tpu.memref_slice %arg9[%dma_start3A_92] : memref<1600xi32, #tpu.memory_space<vmem>> -> memref<128xi32, #tpu.memory_space<vmem>>
    %dma_start3A_94 = arith.constant 0 : i32
    %dma_start3A_95 = tpu.memref_slice %arg6[%dma_start3A_94] : memref<1000xf32, #tpu.memory_space<hbm>> -> memref<1000xf32, #tpu.memory_space<hbm>>
    tpu.enqueue_indirect_dma source(%dma_start3A_95 : memref<1000xf32, #tpu.memory_space<hbm>>) target(%dma_start3A_91 : memref<128xf32, #tpu.memory_space<vmem>>) offsets(%dma_start3A_93 : memref<128xi32, #tpu.memory_space<vmem>>) semaphore(%arg20 : memref<!tpu.dma_semaphore, #tpu.memory_space<semaphore_mem>>)
    %dma_start3A_96 = arith.constant 896 : i32
    %dma_start3A_97 = tpu.memref_slice %arg13[%dma_start3A_96] : memref<1600xf32, #tpu.memory_space<vmem>> -> memref<128xf32, #tpu.memory_space<vmem>>
    %dma_start3A_98 = arith.constant 896 : i32
    %dma_start3A_99 = tpu.memref_slice %arg10[%dma_start3A_98] : memref<1600xi32, #tpu.memory_space<vmem>> -> memref<128xi32, #tpu.memory_space<vmem>>
    %dma_start3A_100 = arith.constant 0 : i32
    %dma_start3A_101 = tpu.memref_slice %arg5[%dma_start3A_100] : memref<1000000xf32, #tpu.memory_space<hbm>> -> memref<1000000xf32, #tpu.memory_space<hbm>>
    tpu.enqueue_indirect_dma source(%dma_start3A_101 : memref<1000000xf32, #tpu.memory_space<hbm>>) target(%dma_start3A_97 : memref<128xf32, #tpu.memory_space<vmem>>) offsets(%dma_start3A_99 : memref<128xi32, #tpu.memory_space<vmem>>) semaphore(%arg20 : memref<!tpu.dma_semaphore, #tpu.memory_space<semaphore_mem>>)
    %dma_start3A_102 = arith.constant 896 : i32
    %dma_start3A_103 = tpu.memref_slice %arg14[%dma_start3A_102] : memref<1600xf32, #tpu.memory_space<vmem>> -> memref<128xf32, #tpu.memory_space<vmem>>
    %dma_start3A_104 = arith.constant 896 : i32
    %dma_start3A_105 = tpu.memref_slice %arg9[%dma_start3A_104] : memref<1600xi32, #tpu.memory_space<vmem>> -> memref<128xi32, #tpu.memory_space<vmem>>
    %dma_start3A_106 = arith.constant 0 : i32
    %dma_start3A_107 = tpu.memref_slice %arg6[%dma_start3A_106] : memref<1000xf32, #tpu.memory_space<hbm>> -> memref<1000xf32, #tpu.memory_space<hbm>>
    tpu.enqueue_indirect_dma source(%dma_start3A_107 : memref<1000xf32, #tpu.memory_space<hbm>>) target(%dma_start3A_103 : memref<128xf32, #tpu.memory_space<vmem>>) offsets(%dma_start3A_105 : memref<128xi32, #tpu.memory_space<vmem>>) semaphore(%arg20 : memref<!tpu.dma_semaphore, #tpu.memory_space<semaphore_mem>>)
    %dma_start3A_108 = arith.constant 1024 : i32
    %dma_start3A_109 = tpu.memref_slice %arg13[%dma_start3A_108] : memref<1600xf32, #tpu.memory_space<vmem>> -> memref<128xf32, #tpu.memory_space<vmem>>
    %dma_start3A_110 = arith.constant 1024 : i32
    %dma_start3A_111 = tpu.memref_slice %arg10[%dma_start3A_110] : memref<1600xi32, #tpu.memory_space<vmem>> -> memref<128xi32, #tpu.memory_space<vmem>>
    %dma_start3A_112 = arith.constant 0 : i32
    %dma_start3A_113 = tpu.memref_slice %arg5[%dma_start3A_112] : memref<1000000xf32, #tpu.memory_space<hbm>> -> memref<1000000xf32, #tpu.memory_space<hbm>>
    tpu.enqueue_indirect_dma source(%dma_start3A_113 : memref<1000000xf32, #tpu.memory_space<hbm>>) target(%dma_start3A_109 : memref<128xf32, #tpu.memory_space<vmem>>) offsets(%dma_start3A_111 : memref<128xi32, #tpu.memory_space<vmem>>) semaphore(%arg20 : memref<!tpu.dma_semaphore, #tpu.memory_space<semaphore_mem>>)
    %dma_start3A_114 = arith.constant 1024 : i32
    %dma_start3A_115 = tpu.memref_slice %arg14[%dma_start3A_114] : memref<1600xf32, #tpu.memory_space<vmem>> -> memref<128xf32, #tpu.memory_space<vmem>>
    %dma_start3A_116 = arith.constant 1024 : i32
    %dma_start3A_117 = tpu.memref_slice %arg9[%dma_start3A_116] : memref<1600xi32, #tpu.memory_space<vmem>> -> memref<128xi32, #tpu.memory_space<vmem>>
    %dma_start3A_118 = arith.constant 0 : i32
    %dma_start3A_119 = tpu.memref_slice %arg6[%dma_start3A_118] : memref<1000xf32, #tpu.memory_space<hbm>> -> memref<1000xf32, #tpu.memory_space<hbm>>
    tpu.enqueue_indirect_dma source(%dma_start3A_119 : memref<1000xf32, #tpu.memory_space<hbm>>) target(%dma_start3A_115 : memref<128xf32, #tpu.memory_space<vmem>>) offsets(%dma_start3A_117 : memref<128xi32, #tpu.memory_space<vmem>>) semaphore(%arg20 : memref<!tpu.dma_semaphore, #tpu.memory_space<semaphore_mem>>)
    %dma_start3A_120 = arith.constant 1152 : i32
    %dma_start3A_121 = tpu.memref_slice %arg13[%dma_start3A_120] : memref<1600xf32, #tpu.memory_space<vmem>> -> memref<128xf32, #tpu.memory_space<vmem>>
    %dma_start3A_122 = arith.constant 1152 : i32
    %dma_start3A_123 = tpu.memref_slice %arg10[%dma_start3A_122] : memref<1600xi32, #tpu.memory_space<vmem>> -> memref<128xi32, #tpu.memory_space<vmem>>
    %dma_start3A_124 = arith.constant 0 : i32
    %dma_start3A_125 = tpu.memref_slice %arg5[%dma_start3A_124] : memref<1000000xf32, #tpu.memory_space<hbm>> -> memref<1000000xf32, #tpu.memory_space<hbm>>
    tpu.enqueue_indirect_dma source(%dma_start3A_125 : memref<1000000xf32, #tpu.memory_space<hbm>>) target(%dma_start3A_121 : memref<128xf32, #tpu.memory_space<vmem>>) offsets(%dma_start3A_123 : memref<128xi32, #tpu.memory_space<vmem>>) semaphore(%arg20 : memref<!tpu.dma_semaphore, #tpu.memory_space<semaphore_mem>>)
    %dma_start3A_126 = arith.constant 1152 : i32
    %dma_start3A_127 = tpu.memref_slice %arg14[%dma_start3A_126] : memref<1600xf32, #tpu.memory_space<vmem>> -> memref<128xf32, #tpu.memory_space<vmem>>
    %dma_start3A_128 = arith.constant 1152 : i32
    %dma_start3A_129 = tpu.memref_slice %arg9[%dma_start3A_128] : memref<1600xi32, #tpu.memory_space<vmem>> -> memref<128xi32, #tpu.memory_space<vmem>>
    %dma_start3A_130 = arith.constant 0 : i32
    %dma_start3A_131 = tpu.memref_slice %arg6[%dma_start3A_130] : memref<1000xf32, #tpu.memory_space<hbm>> -> memref<1000xf32, #tpu.memory_space<hbm>>
    tpu.enqueue_indirect_dma source(%dma_start3A_131 : memref<1000xf32, #tpu.memory_space<hbm>>) target(%dma_start3A_127 : memref<128xf32, #tpu.memory_space<vmem>>) offsets(%dma_start3A_129 : memref<128xi32, #tpu.memory_space<vmem>>) semaphore(%arg20 : memref<!tpu.dma_semaphore, #tpu.memory_space<semaphore_mem>>)
    %dma_start3A_132 = arith.constant 1280 : i32
    %dma_start3A_133 = tpu.memref_slice %arg13[%dma_start3A_132] : memref<1600xf32, #tpu.memory_space<vmem>> -> memref<128xf32, #tpu.memory_space<vmem>>
    %dma_start3A_134 = arith.constant 1280 : i32
    %dma_start3A_135 = tpu.memref_slice %arg10[%dma_start3A_134] : memref<1600xi32, #tpu.memory_space<vmem>> -> memref<128xi32, #tpu.memory_space<vmem>>
    %dma_start3A_136 = arith.constant 0 : i32
    %dma_start3A_137 = tpu.memref_slice %arg5[%dma_start3A_136] : memref<1000000xf32, #tpu.memory_space<hbm>> -> memref<1000000xf32, #tpu.memory_space<hbm>>
    tpu.enqueue_indirect_dma source(%dma_start3A_137 : memref<1000000xf32, #tpu.memory_space<hbm>>) target(%dma_start3A_133 : memref<128xf32, #tpu.memory_space<vmem>>) offsets(%dma_start3A_135 : memref<128xi32, #tpu.memory_space<vmem>>) semaphore(%arg20 : memref<!tpu.dma_semaphore, #tpu.memory_space<semaphore_mem>>)
    %dma_start3A_138 = arith.constant 1280 : i32
    %dma_start3A_139 = tpu.memref_slice %arg14[%dma_start3A_138] : memref<1600xf32, #tpu.memory_space<vmem>> -> memref<128xf32, #tpu.memory_space<vmem>>
    %dma_start3A_140 = arith.constant 1280 : i32
    %dma_start3A_141 = tpu.memref_slice %arg9[%dma_start3A_140] : memref<1600xi32, #tpu.memory_space<vmem>> -> memref<128xi32, #tpu.memory_space<vmem>>
    %dma_start3A_142 = arith.constant 0 : i32
    %dma_start3A_143 = tpu.memref_slice %arg6[%dma_start3A_142] : memref<1000xf32, #tpu.memory_space<hbm>> -> memref<1000xf32, #tpu.memory_space<hbm>>
    tpu.enqueue_indirect_dma source(%dma_start3A_143 : memref<1000xf32, #tpu.memory_space<hbm>>) target(%dma_start3A_139 : memref<128xf32, #tpu.memory_space<vmem>>) offsets(%dma_start3A_141 : memref<128xi32, #tpu.memory_space<vmem>>) semaphore(%arg20 : memref<!tpu.dma_semaphore, #tpu.memory_space<semaphore_mem>>)
    %dma_start3A_144 = arith.constant 1408 : i32
    %dma_start3A_145 = tpu.memref_slice %arg13[%dma_start3A_144] : memref<1600xf32, #tpu.memory_space<vmem>> -> memref<128xf32, #tpu.memory_space<vmem>>
    %dma_start3A_146 = arith.constant 1408 : i32
    %dma_start3A_147 = tpu.memref_slice %arg10[%dma_start3A_146] : memref<1600xi32, #tpu.memory_space<vmem>> -> memref<128xi32, #tpu.memory_space<vmem>>
    %dma_start3A_148 = arith.constant 0 : i32
    %dma_start3A_149 = tpu.memref_slice %arg5[%dma_start3A_148] : memref<1000000xf32, #tpu.memory_space<hbm>> -> memref<1000000xf32, #tpu.memory_space<hbm>>
    tpu.enqueue_indirect_dma source(%dma_start3A_149 : memref<1000000xf32, #tpu.memory_space<hbm>>) target(%dma_start3A_145 : memref<128xf32, #tpu.memory_space<vmem>>) offsets(%dma_start3A_147 : memref<128xi32, #tpu.memory_space<vmem>>) semaphore(%arg20 : memref<!tpu.dma_semaphore, #tpu.memory_space<semaphore_mem>>)
    %dma_start3A_150 = arith.constant 1408 : i32
    %dma_start3A_151 = tpu.memref_slice %arg14[%dma_start3A_150] : memref<1600xf32, #tpu.memory_space<vmem>> -> memref<128xf32, #tpu.memory_space<vmem>>
    %dma_start3A_152 = arith.constant 1408 : i32
    %dma_start3A_153 = tpu.memref_slice %arg9[%dma_start3A_152] : memref<1600xi32, #tpu.memory_space<vmem>> -> memref<128xi32, #tpu.memory_space<vmem>>
    %dma_start3A_154 = arith.constant 0 : i32
    %dma_start3A_155 = tpu.memref_slice %arg6[%dma_start3A_154] : memref<1000xf32, #tpu.memory_space<hbm>> -> memref<1000xf32, #tpu.memory_space<hbm>>
    tpu.enqueue_indirect_dma source(%dma_start3A_155 : memref<1000xf32, #tpu.memory_space<hbm>>) target(%dma_start3A_151 : memref<128xf32, #tpu.memory_space<vmem>>) offsets(%dma_start3A_153 : memref<128xi32, #tpu.memory_space<vmem>>) semaphore(%arg20 : memref<!tpu.dma_semaphore, #tpu.memory_space<semaphore_mem>>)
    %dma_start3A_156 = arith.constant 1536 : i32
    %dma_start3A_157 = tpu.memref_slice %arg13[%dma_start3A_156] : memref<1600xf32, #tpu.memory_space<vmem>> -> memref<64xf32, #tpu.memory_space<vmem>>
    %dma_start3A_158 = arith.constant 1536 : i32
    %dma_start3A_159 = tpu.memref_slice %arg10[%dma_start3A_158] : memref<1600xi32, #tpu.memory_space<vmem>> -> memref<64xi32, #tpu.memory_space<vmem>>
    %dma_start3A_160 = arith.constant 0 : i32
    %dma_start3A_161 = tpu.memref_slice %arg5[%dma_start3A_160] : memref<1000000xf32, #tpu.memory_space<hbm>> -> memref<1000000xf32, #tpu.memory_space<hbm>>
    tpu.enqueue_indirect_dma source(%dma_start3A_161 : memref<1000000xf32, #tpu.memory_space<hbm>>) target(%dma_start3A_157 : memref<64xf32, #tpu.memory_space<vmem>>) offsets(%dma_start3A_159 : memref<64xi32, #tpu.memory_space<vmem>>) semaphore(%arg20 : memref<!tpu.dma_semaphore, #tpu.memory_space<semaphore_mem>>)
    %dma_start3A_162 = arith.constant 1536 : i32
    %dma_start3A_163 = tpu.memref_slice %arg14[%dma_start3A_162] : memref<1600xf32, #tpu.memory_space<vmem>> -> memref<64xf32, #tpu.memory_space<vmem>>
    %dma_start3A_164 = arith.constant 1536 : i32
    %dma_start3A_165 = tpu.memref_slice %arg9[%dma_start3A_164] : memref<1600xi32, #tpu.memory_space<vmem>> -> memref<64xi32, #tpu.memory_space<vmem>>
    %dma_start3A_166 = arith.constant 0 : i32
    %dma_start3A_167 = tpu.memref_slice %arg6[%dma_start3A_166] : memref<1000xf32, #tpu.memory_space<hbm>> -> memref<1000xf32, #tpu.memory_space<hbm>>
    tpu.enqueue_indirect_dma source(%dma_start3A_167 : memref<1000xf32, #tpu.memory_space<hbm>>) target(%dma_start3A_163 : memref<64xf32, #tpu.memory_space<vmem>>) offsets(%dma_start3A_165 : memref<64xi32, #tpu.memory_space<vmem>>) semaphore(%arg20 : memref<!tpu.dma_semaphore, #tpu.memory_space<semaphore_mem>>)
    %scan3A = arith.constant 0 : i32
    %scan3A_168 = arith.constant 0 : i32
    %scan3A_169 = arith.constant 20 : i32
    %scan3A_170 = arith.addi %scan3A_168, %scan3A_169 : i32
    %scan3A_171 = arith.constant 1 : i32
    scf.for %scan3A_341 = %scan3A_168 to %scan3A_170 step %scan3A_171  : i32 {
      %mul3A_342 = arith.constant 2 : i32
      %mul3A_343 = arith.muli %mul3A_342, %scan3A_341 : i32
      %add3A_344 = arith.constant 0 : i32
      %add3A_345 = arith.addi %mul3A_343, %add3A_344 : i32
      %mul3A_346 = arith.constant 40 : i32
      %mul3A_347 = arith.muli %add3A_345, %mul3A_346 : i32
      %mul3A_348 = arith.constant 40 : i32
      %mul3A_349 = arith.muli %add3A_345, %mul3A_348 : i32
      %dma_wait3A_350 = tpu.memref_slice %arg9[%mul3A_349] : memref<1600xi32, #tpu.memory_space<vmem>> -> memref<40xi32, #tpu.memory_space<vmem>>
      %dma_wait3A_351 = arith.constant 0 : i32
      %dma_wait3A_352 = arith.constant 0 : i32
      %dma_wait3A_353 = tpu.memref_slice %arg4[%dma_wait3A_351, %dma_wait3A_352] : memref<1000x1024xf32, #tpu.memory_space<hbm>> -> memref<1000x1024xf32, #tpu.memory_space<hbm>>
      tpu.wait_indirect_dma semaphore(%arg16 : memref<!tpu.dma_semaphore, #tpu.memory_space<semaphore_mem>>) src(%dma_wait3A_353 : memref<1000x1024xf32, #tpu.memory_space<hbm>>) dst(%arg11 : memref<40x1024xf32, #tpu.memory_space<vmem>>)
      %add3A_354 = arith.addi %mul3A_2, %mul3A_347 : i32
      %dma_start3A_355 = arith.constant 0 : i32
      %dma_start3A_356 = tpu.memref_slice %arg7[%add3A_354, %dma_start3A_355] : memref<51200x1024xf32, #tpu.memory_space<hbm>> -> memref<40x1024xf32, #tpu.memory_space<hbm>>
      %dma_start3A_357 = arith.constant 0 : i32
      %dma_start3A_358 = tpu.memref_slice %arg7[%add3A_354, %dma_start3A_357] : memref<51200x1024xf32, #tpu.memory_space<hbm>> -> memref<40x1024xf32, #tpu.memory_space<hbm>>
      tpu.enqueue_dma source(%arg11 : memref<40x1024xf32, #tpu.memory_space<vmem>>) target(%dma_start3A_358 : memref<40x1024xf32, #tpu.memory_space<hbm>>) target_semaphore(%arg18 : memref<!tpu.dma_semaphore, #tpu.memory_space<semaphore_mem>>)
      %dma_wait3A_359 = arith.constant 0 : i32
      %dma_wait3A_360 = tpu.memref_slice %arg7[%add3A_354, %dma_wait3A_359] : memref<51200x1024xf32, #tpu.memory_space<hbm>> -> memref<40x1024xf32, #tpu.memory_space<hbm>>
      %dma_wait3A_361 = arith.constant 0 : i32
      %dma_wait3A_362 = tpu.memref_slice %arg7[%add3A_354, %dma_wait3A_361] : memref<51200x1024xf32, #tpu.memory_space<hbm>> -> memref<40x1024xf32, #tpu.memory_space<hbm>>
      tpu.wait_dma2 semaphore(%arg18 : memref<!tpu.dma_semaphore, #tpu.memory_space<semaphore_mem>>) src(%arg11 : memref<40x1024xf32, #tpu.memory_space<vmem>>) dst(%dma_wait3A_362 : memref<40x1024xf32, #tpu.memory_space<hbm>>)
      %add3A_363 = arith.constant 2 : i32
      %add3A_364 = arith.addi %add3A_345, %add3A_363 : i32
      %lt3A = arith.constant 40 : i32
      %lt3A_365 = arith.cmpi slt, %add3A_364, %lt3A : i32
      %convert_element_type3A = arith.extui %lt3A_365 : i1 to i32
      %cond3A = arith.constant 0 : i32
      %cond3A_366 = arith.cmpi ne, %convert_element_type3A, %cond3A : i32
      scf.if %cond3A_366 {
        %add3A_395 = arith.constant 2 : i32
        %add3A_396 = arith.addi %add3A_345, %add3A_395 : i32
        %mul3A_397 = arith.constant 40 : i32
        %mul3A_398 = arith.muli %add3A_396, %mul3A_397 : i32
        %dma_start3A_399 = tpu.memref_slice %arg9[%mul3A_398] : memref<1600xi32, #tpu.memory_space<vmem>> -> memref<40xi32, #tpu.memory_space<vmem>>
        %dma_start3A_400 = arith.constant 0 : i32
        %dma_start3A_401 = arith.constant 0 : i32
        %dma_start3A_402 = tpu.memref_slice %arg4[%dma_start3A_400, %dma_start3A_401] : memref<1000x1024xf32, #tpu.memory_space<hbm>> -> memref<1000x1024xf32, #tpu.memory_space<hbm>>
        tpu.enqueue_indirect_dma source(%dma_start3A_402 : memref<1000x1024xf32, #tpu.memory_space<hbm>>) target(%arg11 : memref<40x1024xf32, #tpu.memory_space<vmem>>) offsets(%dma_start3A_399 : memref<40xi32, #tpu.memory_space<vmem>>) semaphore(%arg16 : memref<!tpu.dma_semaphore, #tpu.memory_space<semaphore_mem>>)
      } else {
      }
      %mul3A_367 = arith.constant 2 : i32
      %mul3A_368 = arith.muli %mul3A_367, %scan3A_341 : i32
      %add3A_369 = arith.constant 1 : i32
      %add3A_370 = arith.addi %mul3A_368, %add3A_369 : i32
      %mul3A_371 = arith.constant 40 : i32
      %mul3A_372 = arith.muli %add3A_370, %mul3A_371 : i32
      %mul3A_373 = arith.constant 40 : i32
      %mul3A_374 = arith.muli %add3A_370, %mul3A_373 : i32
      %dma_wait3A_375 = tpu.memref_slice %arg9[%mul3A_374] : memref<1600xi32, #tpu.memory_space<vmem>> -> memref<40xi32, #tpu.memory_space<vmem>>
      %dma_wait3A_376 = arith.constant 0 : i32
      %dma_wait3A_377 = arith.constant 0 : i32
      %dma_wait3A_378 = tpu.memref_slice %arg4[%dma_wait3A_376, %dma_wait3A_377] : memref<1000x1024xf32, #tpu.memory_space<hbm>> -> memref<1000x1024xf32, #tpu.memory_space<hbm>>
      tpu.wait_indirect_dma semaphore(%arg17 : memref<!tpu.dma_semaphore, #tpu.memory_space<semaphore_mem>>) src(%dma_wait3A_378 : memref<1000x1024xf32, #tpu.memory_space<hbm>>) dst(%arg12 : memref<40x1024xf32, #tpu.memory_space<vmem>>)
      %add3A_379 = arith.addi %mul3A_2, %mul3A_372 : i32
      %dma_start3A_380 = arith.constant 0 : i32
      %dma_start3A_381 = tpu.memref_slice %arg7[%add3A_379, %dma_start3A_380] : memref<51200x1024xf32, #tpu.memory_space<hbm>> -> memref<40x1024xf32, #tpu.memory_space<hbm>>
      %dma_start3A_382 = arith.constant 0 : i32
      %dma_start3A_383 = tpu.memref_slice %arg7[%add3A_379, %dma_start3A_382] : memref<51200x1024xf32, #tpu.memory_space<hbm>> -> memref<40x1024xf32, #tpu.memory_space<hbm>>
      tpu.enqueue_dma source(%arg12 : memref<40x1024xf32, #tpu.memory_space<vmem>>) target(%dma_start3A_383 : memref<40x1024xf32, #tpu.memory_space<hbm>>) target_semaphore(%arg19 : memref<!tpu.dma_semaphore, #tpu.memory_space<semaphore_mem>>)
      %dma_wait3A_384 = arith.constant 0 : i32
      %dma_wait3A_385 = tpu.memref_slice %arg7[%add3A_379, %dma_wait3A_384] : memref<51200x1024xf32, #tpu.memory_space<hbm>> -> memref<40x1024xf32, #tpu.memory_space<hbm>>
      %dma_wait3A_386 = arith.constant 0 : i32
      %dma_wait3A_387 = tpu.memref_slice %arg7[%add3A_379, %dma_wait3A_386] : memref<51200x1024xf32, #tpu.memory_space<hbm>> -> memref<40x1024xf32, #tpu.memory_space<hbm>>
      tpu.wait_dma2 semaphore(%arg19 : memref<!tpu.dma_semaphore, #tpu.memory_space<semaphore_mem>>) src(%arg12 : memref<40x1024xf32, #tpu.memory_space<vmem>>) dst(%dma_wait3A_387 : memref<40x1024xf32, #tpu.memory_space<hbm>>)
      %add3A_388 = arith.constant 2 : i32
      %add3A_389 = arith.addi %add3A_370, %add3A_388 : i32
      %lt3A_390 = arith.constant 40 : i32
      %lt3A_391 = arith.cmpi slt, %add3A_389, %lt3A_390 : i32
      %convert_element_type3A_392 = arith.extui %lt3A_391 : i1 to i32
      %cond3A_393 = arith.constant 0 : i32
      %cond3A_394 = arith.cmpi ne, %convert_element_type3A_392, %cond3A_393 : i32
      scf.if %cond3A_394 {
        %add3A_395 = arith.constant 2 : i32
        %add3A_396 = arith.addi %add3A_370, %add3A_395 : i32
        %mul3A_397 = arith.constant 40 : i32
        %mul3A_398 = arith.muli %add3A_396, %mul3A_397 : i32
        %dma_start3A_399 = tpu.memref_slice %arg9[%mul3A_398] : memref<1600xi32, #tpu.memory_space<vmem>> -> memref<40xi32, #tpu.memory_space<vmem>>
        %dma_start3A_400 = arith.constant 0 : i32
        %dma_start3A_401 = arith.constant 0 : i32
        %dma_start3A_402 = tpu.memref_slice %arg4[%dma_start3A_400, %dma_start3A_401] : memref<1000x1024xf32, #tpu.memory_space<hbm>> -> memref<1000x1024xf32, #tpu.memory_space<hbm>>
        tpu.enqueue_indirect_dma source(%dma_start3A_402 : memref<1000x1024xf32, #tpu.memory_space<hbm>>) target(%arg12 : memref<40x1024xf32, #tpu.memory_space<vmem>>) offsets(%dma_start3A_399 : memref<40xi32, #tpu.memory_space<vmem>>) semaphore(%arg17 : memref<!tpu.dma_semaphore, #tpu.memory_space<semaphore_mem>>)
      } else {
      }
    }
    %scan3A_172 = arith.constant 20 : i32
    %dma_wait3A = arith.constant 0 : i32
    %dma_wait3A_173 = tpu.memref_slice %arg13[%dma_wait3A] : memref<1600xf32, #tpu.memory_space<vmem>> -> memref<128xf32, #tpu.memory_space<vmem>>
    %dma_wait3A_174 = arith.constant 0 : i32
    %dma_wait3A_175 = tpu.memref_slice %arg10[%dma_wait3A_174] : memref<1600xi32, #tpu.memory_space<vmem>> -> memref<128xi32, #tpu.memory_space<vmem>>
    %dma_wait3A_176 = arith.constant 0 : i32
    %dma_wait3A_177 = tpu.memref_slice %arg5[%dma_wait3A_176] : memref<1000000xf32, #tpu.memory_space<hbm>> -> memref<1000000xf32, #tpu.memory_space<hbm>>
    tpu.wait_indirect_dma semaphore(%arg20 : memref<!tpu.dma_semaphore, #tpu.memory_space<semaphore_mem>>) src(%dma_wait3A_177 : memref<1000000xf32, #tpu.memory_space<hbm>>) dst(%dma_wait3A_173 : memref<128xf32, #tpu.memory_space<vmem>>)
    %dma_wait3A_178 = arith.constant 0 : i32
    %dma_wait3A_179 = tpu.memref_slice %arg14[%dma_wait3A_178] : memref<1600xf32, #tpu.memory_space<vmem>> -> memref<128xf32, #tpu.memory_space<vmem>>
    %dma_wait3A_180 = arith.constant 0 : i32
    %dma_wait3A_181 = tpu.memref_slice %arg9[%dma_wait3A_180] : memref<1600xi32, #tpu.memory_space<vmem>> -> memref<128xi32, #tpu.memory_space<vmem>>
    %dma_wait3A_182 = arith.constant 0 : i32
    %dma_wait3A_183 = tpu.memref_slice %arg6[%dma_wait3A_182] : memref<1000xf32, #tpu.memory_space<hbm>> -> memref<1000xf32, #tpu.memory_space<hbm>>
    tpu.wait_indirect_dma semaphore(%arg20 : memref<!tpu.dma_semaphore, #tpu.memory_space<semaphore_mem>>) src(%dma_wait3A_183 : memref<1000xf32, #tpu.memory_space<hbm>>) dst(%dma_wait3A_179 : memref<128xf32, #tpu.memory_space<vmem>>)
    %dma_wait3A_184 = arith.constant 128 : i32
    %dma_wait3A_185 = tpu.memref_slice %arg13[%dma_wait3A_184] : memref<1600xf32, #tpu.memory_space<vmem>> -> memref<128xf32, #tpu.memory_space<vmem>>
    %dma_wait3A_186 = arith.constant 128 : i32
    %dma_wait3A_187 = tpu.memref_slice %arg10[%dma_wait3A_186] : memref<1600xi32, #tpu.memory_space<vmem>> -> memref<128xi32, #tpu.memory_space<vmem>>
    %dma_wait3A_188 = arith.constant 0 : i32
    %dma_wait3A_189 = tpu.memref_slice %arg5[%dma_wait3A_188] : memref<1000000xf32, #tpu.memory_space<hbm>> -> memref<1000000xf32, #tpu.memory_space<hbm>>
    tpu.wait_indirect_dma semaphore(%arg20 : memref<!tpu.dma_semaphore, #tpu.memory_space<semaphore_mem>>) src(%dma_wait3A_189 : memref<1000000xf32, #tpu.memory_space<hbm>>) dst(%dma_wait3A_185 : memref<128xf32, #tpu.memory_space<vmem>>)
    %dma_wait3A_190 = arith.constant 128 : i32
    %dma_wait3A_191 = tpu.memref_slice %arg14[%dma_wait3A_190] : memref<1600xf32, #tpu.memory_space<vmem>> -> memref<128xf32, #tpu.memory_space<vmem>>
    %dma_wait3A_192 = arith.constant 128 : i32
    %dma_wait3A_193 = tpu.memref_slice %arg9[%dma_wait3A_192] : memref<1600xi32, #tpu.memory_space<vmem>> -> memref<128xi32, #tpu.memory_space<vmem>>
    %dma_wait3A_194 = arith.constant 0 : i32
    %dma_wait3A_195 = tpu.memref_slice %arg6[%dma_wait3A_194] : memref<1000xf32, #tpu.memory_space<hbm>> -> memref<1000xf32, #tpu.memory_space<hbm>>
    tpu.wait_indirect_dma semaphore(%arg20 : memref<!tpu.dma_semaphore, #tpu.memory_space<semaphore_mem>>) src(%dma_wait3A_195 : memref<1000xf32, #tpu.memory_space<hbm>>) dst(%dma_wait3A_191 : memref<128xf32, #tpu.memory_space<vmem>>)
    %dma_wait3A_196 = arith.constant 256 : i32
    %dma_wait3A_197 = tpu.memref_slice %arg13[%dma_wait3A_196] : memref<1600xf32, #tpu.memory_space<vmem>> -> memref<128xf32, #tpu.memory_space<vmem>>
    %dma_wait3A_198 = arith.constant 256 : i32
    %dma_wait3A_199 = tpu.memref_slice %arg10[%dma_wait3A_198] : memref<1600xi32, #tpu.memory_space<vmem>> -> memref<128xi32, #tpu.memory_space<vmem>>
    %dma_wait3A_200 = arith.constant 0 : i32
    %dma_wait3A_201 = tpu.memref_slice %arg5[%dma_wait3A_200] : memref<1000000xf32, #tpu.memory_space<hbm>> -> memref<1000000xf32, #tpu.memory_space<hbm>>
    tpu.wait_indirect_dma semaphore(%arg20 : memref<!tpu.dma_semaphore, #tpu.memory_space<semaphore_mem>>) src(%dma_wait3A_201 : memref<1000000xf32, #tpu.memory_space<hbm>>) dst(%dma_wait3A_197 : memref<128xf32, #tpu.memory_space<vmem>>)
    %dma_wait3A_202 = arith.constant 256 : i32
    %dma_wait3A_203 = tpu.memref_slice %arg14[%dma_wait3A_202] : memref<1600xf32, #tpu.memory_space<vmem>> -> memref<128xf32, #tpu.memory_space<vmem>>
    %dma_wait3A_204 = arith.constant 256 : i32
    %dma_wait3A_205 = tpu.memref_slice %arg9[%dma_wait3A_204] : memref<1600xi32, #tpu.memory_space<vmem>> -> memref<128xi32, #tpu.memory_space<vmem>>
    %dma_wait3A_206 = arith.constant 0 : i32
    %dma_wait3A_207 = tpu.memref_slice %arg6[%dma_wait3A_206] : memref<1000xf32, #tpu.memory_space<hbm>> -> memref<1000xf32, #tpu.memory_space<hbm>>
    tpu.wait_indirect_dma semaphore(%arg20 : memref<!tpu.dma_semaphore, #tpu.memory_space<semaphore_mem>>) src(%dma_wait3A_207 : memref<1000xf32, #tpu.memory_space<hbm>>) dst(%dma_wait3A_203 : memref<128xf32, #tpu.memory_space<vmem>>)
    %dma_wait3A_208 = arith.constant 384 : i32
    %dma_wait3A_209 = tpu.memref_slice %arg13[%dma_wait3A_208] : memref<1600xf32, #tpu.memory_space<vmem>> -> memref<128xf32, #tpu.memory_space<vmem>>
    %dma_wait3A_210 = arith.constant 384 : i32
    %dma_wait3A_211 = tpu.memref_slice %arg10[%dma_wait3A_210] : memref<1600xi32, #tpu.memory_space<vmem>> -> memref<128xi32, #tpu.memory_space<vmem>>
    %dma_wait3A_212 = arith.constant 0 : i32
    %dma_wait3A_213 = tpu.memref_slice %arg5[%dma_wait3A_212] : memref<1000000xf32, #tpu.memory_space<hbm>> -> memref<1000000xf32, #tpu.memory_space<hbm>>
    tpu.wait_indirect_dma semaphore(%arg20 : memref<!tpu.dma_semaphore, #tpu.memory_space<semaphore_mem>>) src(%dma_wait3A_213 : memref<1000000xf32, #tpu.memory_space<hbm>>) dst(%dma_wait3A_209 : memref<128xf32, #tpu.memory_space<vmem>>)
    %dma_wait3A_214 = arith.constant 384 : i32
    %dma_wait3A_215 = tpu.memref_slice %arg14[%dma_wait3A_214] : memref<1600xf32, #tpu.memory_space<vmem>> -> memref<128xf32, #tpu.memory_space<vmem>>
    %dma_wait3A_216 = arith.constant 384 : i32
    %dma_wait3A_217 = tpu.memref_slice %arg9[%dma_wait3A_216] : memref<1600xi32, #tpu.memory_space<vmem>> -> memref<128xi32, #tpu.memory_space<vmem>>
    %dma_wait3A_218 = arith.constant 0 : i32
    %dma_wait3A_219 = tpu.memref_slice %arg6[%dma_wait3A_218] : memref<1000xf32, #tpu.memory_space<hbm>> -> memref<1000xf32, #tpu.memory_space<hbm>>
    tpu.wait_indirect_dma semaphore(%arg20 : memref<!tpu.dma_semaphore, #tpu.memory_space<semaphore_mem>>) src(%dma_wait3A_219 : memref<1000xf32, #tpu.memory_space<hbm>>) dst(%dma_wait3A_215 : memref<128xf32, #tpu.memory_space<vmem>>)
    %dma_wait3A_220 = arith.constant 512 : i32
    %dma_wait3A_221 = tpu.memref_slice %arg13[%dma_wait3A_220] : memref<1600xf32, #tpu.memory_space<vmem>> -> memref<128xf32, #tpu.memory_space<vmem>>
    %dma_wait3A_222 = arith.constant 512 : i32
    %dma_wait3A_223 = tpu.memref_slice %arg10[%dma_wait3A_222] : memref<1600xi32, #tpu.memory_space<vmem>> -> memref<128xi32, #tpu.memory_space<vmem>>
    %dma_wait3A_224 = arith.constant 0 : i32
    %dma_wait3A_225 = tpu.memref_slice %arg5[%dma_wait3A_224] : memref<1000000xf32, #tpu.memory_space<hbm>> -> memref<1000000xf32, #tpu.memory_space<hbm>>
    tpu.wait_indirect_dma semaphore(%arg20 : memref<!tpu.dma_semaphore, #tpu.memory_space<semaphore_mem>>) src(%dma_wait3A_225 : memref<1000000xf32, #tpu.memory_space<hbm>>) dst(%dma_wait3A_221 : memref<128xf32, #tpu.memory_space<vmem>>)
    %dma_wait3A_226 = arith.constant 512 : i32
    %dma_wait3A_227 = tpu.memref_slice %arg14[%dma_wait3A_226] : memref<1600xf32, #tpu.memory_space<vmem>> -> memref<128xf32, #tpu.memory_space<vmem>>
    %dma_wait3A_228 = arith.constant 512 : i32
    %dma_wait3A_229 = tpu.memref_slice %arg9[%dma_wait3A_228] : memref<1600xi32, #tpu.memory_space<vmem>> -> memref<128xi32, #tpu.memory_space<vmem>>
    %dma_wait3A_230 = arith.constant 0 : i32
    %dma_wait3A_231 = tpu.memref_slice %arg6[%dma_wait3A_230] : memref<1000xf32, #tpu.memory_space<hbm>> -> memref<1000xf32, #tpu.memory_space<hbm>>
    tpu.wait_indirect_dma semaphore(%arg20 : memref<!tpu.dma_semaphore, #tpu.memory_space<semaphore_mem>>) src(%dma_wait3A_231 : memref<1000xf32, #tpu.memory_space<hbm>>) dst(%dma_wait3A_227 : memref<128xf32, #tpu.memory_space<vmem>>)
    %dma_wait3A_232 = arith.constant 640 : i32
    %dma_wait3A_233 = tpu.memref_slice %arg13[%dma_wait3A_232] : memref<1600xf32, #tpu.memory_space<vmem>> -> memref<128xf32, #tpu.memory_space<vmem>>
    %dma_wait3A_234 = arith.constant 640 : i32
    %dma_wait3A_235 = tpu.memref_slice %arg10[%dma_wait3A_234] : memref<1600xi32, #tpu.memory_space<vmem>> -> memref<128xi32, #tpu.memory_space<vmem>>
    %dma_wait3A_236 = arith.constant 0 : i32
    %dma_wait3A_237 = tpu.memref_slice %arg5[%dma_wait3A_236] : memref<1000000xf32, #tpu.memory_space<hbm>> -> memref<1000000xf32, #tpu.memory_space<hbm>>
    tpu.wait_indirect_dma semaphore(%arg20 : memref<!tpu.dma_semaphore, #tpu.memory_space<semaphore_mem>>) src(%dma_wait3A_237 : memref<1000000xf32, #tpu.memory_space<hbm>>) dst(%dma_wait3A_233 : memref<128xf32, #tpu.memory_space<vmem>>)
    %dma_wait3A_238 = arith.constant 640 : i32
    %dma_wait3A_239 = tpu.memref_slice %arg14[%dma_wait3A_238] : memref<1600xf32, #tpu.memory_space<vmem>> -> memref<128xf32, #tpu.memory_space<vmem>>
    %dma_wait3A_240 = arith.constant 640 : i32
    %dma_wait3A_241 = tpu.memref_slice %arg9[%dma_wait3A_240] : memref<1600xi32, #tpu.memory_space<vmem>> -> memref<128xi32, #tpu.memory_space<vmem>>
    %dma_wait3A_242 = arith.constant 0 : i32
    %dma_wait3A_243 = tpu.memref_slice %arg6[%dma_wait3A_242] : memref<1000xf32, #tpu.memory_space<hbm>> -> memref<1000xf32, #tpu.memory_space<hbm>>
    tpu.wait_indirect_dma semaphore(%arg20 : memref<!tpu.dma_semaphore, #tpu.memory_space<semaphore_mem>>) src(%dma_wait3A_243 : memref<1000xf32, #tpu.memory_space<hbm>>) dst(%dma_wait3A_239 : memref<128xf32, #tpu.memory_space<vmem>>)
    %dma_wait3A_244 = arith.constant 768 : i32
    %dma_wait3A_245 = tpu.memref_slice %arg13[%dma_wait3A_244] : memref<1600xf32, #tpu.memory_space<vmem>> -> memref<128xf32, #tpu.memory_space<vmem>>
    %dma_wait3A_246 = arith.constant 768 : i32
    %dma_wait3A_247 = tpu.memref_slice %arg10[%dma_wait3A_246] : memref<1600xi32, #tpu.memory_space<vmem>> -> memref<128xi32, #tpu.memory_space<vmem>>
    %dma_wait3A_248 = arith.constant 0 : i32
    %dma_wait3A_249 = tpu.memref_slice %arg5[%dma_wait3A_248] : memref<1000000xf32, #tpu.memory_space<hbm>> -> memref<1000000xf32, #tpu.memory_space<hbm>>
    tpu.wait_indirect_dma semaphore(%arg20 : memref<!tpu.dma_semaphore, #tpu.memory_space<semaphore_mem>>) src(%dma_wait3A_249 : memref<1000000xf32, #tpu.memory_space<hbm>>) dst(%dma_wait3A_245 : memref<128xf32, #tpu.memory_space<vmem>>)
    %dma_wait3A_250 = arith.constant 768 : i32
    %dma_wait3A_251 = tpu.memref_slice %arg14[%dma_wait3A_250] : memref<1600xf32, #tpu.memory_space<vmem>> -> memref<128xf32, #tpu.memory_space<vmem>>
    %dma_wait3A_252 = arith.constant 768 : i32
    %dma_wait3A_253 = tpu.memref_slice %arg9[%dma_wait3A_252] : memref<1600xi32, #tpu.memory_space<vmem>> -> memref<128xi32, #tpu.memory_space<vmem>>
    %dma_wait3A_254 = arith.constant 0 : i32
    %dma_wait3A_255 = tpu.memref_slice %arg6[%dma_wait3A_254] : memref<1000xf32, #tpu.memory_space<hbm>> -> memref<1000xf32, #tpu.memory_space<hbm>>
    tpu.wait_indirect_dma semaphore(%arg20 : memref<!tpu.dma_semaphore, #tpu.memory_space<semaphore_mem>>) src(%dma_wait3A_255 : memref<1000xf32, #tpu.memory_space<hbm>>) dst(%dma_wait3A_251 : memref<128xf32, #tpu.memory_space<vmem>>)
    %dma_wait3A_256 = arith.constant 896 : i32
    %dma_wait3A_257 = tpu.memref_slice %arg13[%dma_wait3A_256] : memref<1600xf32, #tpu.memory_space<vmem>> -> memref<128xf32, #tpu.memory_space<vmem>>
    %dma_wait3A_258 = arith.constant 896 : i32
    %dma_wait3A_259 = tpu.memref_slice %arg10[%dma_wait3A_258] : memref<1600xi32, #tpu.memory_space<vmem>> -> memref<128xi32, #tpu.memory_space<vmem>>
    %dma_wait3A_260 = arith.constant 0 : i32
    %dma_wait3A_261 = tpu.memref_slice %arg5[%dma_wait3A_260] : memref<1000000xf32, #tpu.memory_space<hbm>> -> memref<1000000xf32, #tpu.memory_space<hbm>>
    tpu.wait_indirect_dma semaphore(%arg20 : memref<!tpu.dma_semaphore, #tpu.memory_space<semaphore_mem>>) src(%dma_wait3A_261 : memref<1000000xf32, #tpu.memory_space<hbm>>) dst(%dma_wait3A_257 : memref<128xf32, #tpu.memory_space<vmem>>)
    %dma_wait3A_262 = arith.constant 896 : i32
    %dma_wait3A_263 = tpu.memref_slice %arg14[%dma_wait3A_262] : memref<1600xf32, #tpu.memory_space<vmem>> -> memref<128xf32, #tpu.memory_space<vmem>>
    %dma_wait3A_264 = arith.constant 896 : i32
    %dma_wait3A_265 = tpu.memref_slice %arg9[%dma_wait3A_264] : memref<1600xi32, #tpu.memory_space<vmem>> -> memref<128xi32, #tpu.memory_space<vmem>>
    %dma_wait3A_266 = arith.constant 0 : i32
    %dma_wait3A_267 = tpu.memref_slice %arg6[%dma_wait3A_266] : memref<1000xf32, #tpu.memory_space<hbm>> -> memref<1000xf32, #tpu.memory_space<hbm>>
    tpu.wait_indirect_dma semaphore(%arg20 : memref<!tpu.dma_semaphore, #tpu.memory_space<semaphore_mem>>) src(%dma_wait3A_267 : memref<1000xf32, #tpu.memory_space<hbm>>) dst(%dma_wait3A_263 : memref<128xf32, #tpu.memory_space<vmem>>)
    %dma_wait3A_268 = arith.constant 1024 : i32
    %dma_wait3A_269 = tpu.memref_slice %arg13[%dma_wait3A_268] : memref<1600xf32, #tpu.memory_space<vmem>> -> memref<128xf32, #tpu.memory_space<vmem>>
    %dma_wait3A_270 = arith.constant 1024 : i32
    %dma_wait3A_271 = tpu.memref_slice %arg10[%dma_wait3A_270] : memref<1600xi32, #tpu.memory_space<vmem>> -> memref<128xi32, #tpu.memory_space<vmem>>
    %dma_wait3A_272 = arith.constant 0 : i32
    %dma_wait3A_273 = tpu.memref_slice %arg5[%dma_wait3A_272] : memref<1000000xf32, #tpu.memory_space<hbm>> -> memref<1000000xf32, #tpu.memory_space<hbm>>
    tpu.wait_indirect_dma semaphore(%arg20 : memref<!tpu.dma_semaphore, #tpu.memory_space<semaphore_mem>>) src(%dma_wait3A_273 : memref<1000000xf32, #tpu.memory_space<hbm>>) dst(%dma_wait3A_269 : memref<128xf32, #tpu.memory_space<vmem>>)
    %dma_wait3A_274 = arith.constant 1024 : i32
    %dma_wait3A_275 = tpu.memref_slice %arg14[%dma_wait3A_274] : memref<1600xf32, #tpu.memory_space<vmem>> -> memref<128xf32, #tpu.memory_space<vmem>>
    %dma_wait3A_276 = arith.constant 1024 : i32
    %dma_wait3A_277 = tpu.memref_slice %arg9[%dma_wait3A_276] : memref<1600xi32, #tpu.memory_space<vmem>> -> memref<128xi32, #tpu.memory_space<vmem>>
    %dma_wait3A_278 = arith.constant 0 : i32
    %dma_wait3A_279 = tpu.memref_slice %arg6[%dma_wait3A_278] : memref<1000xf32, #tpu.memory_space<hbm>> -> memref<1000xf32, #tpu.memory_space<hbm>>
    tpu.wait_indirect_dma semaphore(%arg20 : memref<!tpu.dma_semaphore, #tpu.memory_space<semaphore_mem>>) src(%dma_wait3A_279 : memref<1000xf32, #tpu.memory_space<hbm>>) dst(%dma_wait3A_275 : memref<128xf32, #tpu.memory_space<vmem>>)
    %dma_wait3A_280 = arith.constant 1152 : i32
    %dma_wait3A_281 = tpu.memref_slice %arg13[%dma_wait3A_280] : memref<1600xf32, #tpu.memory_space<vmem>> -> memref<128xf32, #tpu.memory_space<vmem>>
    %dma_wait3A_282 = arith.constant 1152 : i32
    %dma_wait3A_283 = tpu.memref_slice %arg10[%dma_wait3A_282] : memref<1600xi32, #tpu.memory_space<vmem>> -> memref<128xi32, #tpu.memory_space<vmem>>
    %dma_wait3A_284 = arith.constant 0 : i32
    %dma_wait3A_285 = tpu.memref_slice %arg5[%dma_wait3A_284] : memref<1000000xf32, #tpu.memory_space<hbm>> -> memref<1000000xf32, #tpu.memory_space<hbm>>
    tpu.wait_indirect_dma semaphore(%arg20 : memref<!tpu.dma_semaphore, #tpu.memory_space<semaphore_mem>>) src(%dma_wait3A_285 : memref<1000000xf32, #tpu.memory_space<hbm>>) dst(%dma_wait3A_281 : memref<128xf32, #tpu.memory_space<vmem>>)
    %dma_wait3A_286 = arith.constant 1152 : i32
    %dma_wait3A_287 = tpu.memref_slice %arg14[%dma_wait3A_286] : memref<1600xf32, #tpu.memory_space<vmem>> -> memref<128xf32, #tpu.memory_space<vmem>>
    %dma_wait3A_288 = arith.constant 1152 : i32
    %dma_wait3A_289 = tpu.memref_slice %arg9[%dma_wait3A_288] : memref<1600xi32, #tpu.memory_space<vmem>> -> memref<128xi32, #tpu.memory_space<vmem>>
    %dma_wait3A_290 = arith.constant 0 : i32
    %dma_wait3A_291 = tpu.memref_slice %arg6[%dma_wait3A_290] : memref<1000xf32, #tpu.memory_space<hbm>> -> memref<1000xf32, #tpu.memory_space<hbm>>
    tpu.wait_indirect_dma semaphore(%arg20 : memref<!tpu.dma_semaphore, #tpu.memory_space<semaphore_mem>>) src(%dma_wait3A_291 : memref<1000xf32, #tpu.memory_space<hbm>>) dst(%dma_wait3A_287 : memref<128xf32, #tpu.memory_space<vmem>>)
    %dma_wait3A_292 = arith.constant 1280 : i32
    %dma_wait3A_293 = tpu.memref_slice %arg13[%dma_wait3A_292] : memref<1600xf32, #tpu.memory_space<vmem>> -> memref<128xf32, #tpu.memory_space<vmem>>
    %dma_wait3A_294 = arith.constant 1280 : i32
    %dma_wait3A_295 = tpu.memref_slice %arg10[%dma_wait3A_294] : memref<1600xi32, #tpu.memory_space<vmem>> -> memref<128xi32, #tpu.memory_space<vmem>>
    %dma_wait3A_296 = arith.constant 0 : i32
    %dma_wait3A_297 = tpu.memref_slice %arg5[%dma_wait3A_296] : memref<1000000xf32, #tpu.memory_space<hbm>> -> memref<1000000xf32, #tpu.memory_space<hbm>>
    tpu.wait_indirect_dma semaphore(%arg20 : memref<!tpu.dma_semaphore, #tpu.memory_space<semaphore_mem>>) src(%dma_wait3A_297 : memref<1000000xf32, #tpu.memory_space<hbm>>) dst(%dma_wait3A_293 : memref<128xf32, #tpu.memory_space<vmem>>)
    %dma_wait3A_298 = arith.constant 1280 : i32
    %dma_wait3A_299 = tpu.memref_slice %arg14[%dma_wait3A_298] : memref<1600xf32, #tpu.memory_space<vmem>> -> memref<128xf32, #tpu.memory_space<vmem>>
    %dma_wait3A_300 = arith.constant 1280 : i32
    %dma_wait3A_301 = tpu.memref_slice %arg9[%dma_wait3A_300] : memref<1600xi32, #tpu.memory_space<vmem>> -> memref<128xi32, #tpu.memory_space<vmem>>
    %dma_wait3A_302 = arith.constant 0 : i32
    %dma_wait3A_303 = tpu.memref_slice %arg6[%dma_wait3A_302] : memref<1000xf32, #tpu.memory_space<hbm>> -> memref<1000xf32, #tpu.memory_space<hbm>>
    tpu.wait_indirect_dma semaphore(%arg20 : memref<!tpu.dma_semaphore, #tpu.memory_space<semaphore_mem>>) src(%dma_wait3A_303 : memref<1000xf32, #tpu.memory_space<hbm>>) dst(%dma_wait3A_299 : memref<128xf32, #tpu.memory_space<vmem>>)
    %dma_wait3A_304 = arith.constant 1408 : i32
    %dma_wait3A_305 = tpu.memref_slice %arg13[%dma_wait3A_304] : memref<1600xf32, #tpu.memory_space<vmem>> -> memref<128xf32, #tpu.memory_space<vmem>>
    %dma_wait3A_306 = arith.constant 1408 : i32
    %dma_wait3A_307 = tpu.memref_slice %arg10[%dma_wait3A_306] : memref<1600xi32, #tpu.memory_space<vmem>> -> memref<128xi32, #tpu.memory_space<vmem>>
    %dma_wait3A_308 = arith.constant 0 : i32
    %dma_wait3A_309 = tpu.memref_slice %arg5[%dma_wait3A_308] : memref<1000000xf32, #tpu.memory_space<hbm>> -> memref<1000000xf32, #tpu.memory_space<hbm>>
    tpu.wait_indirect_dma semaphore(%arg20 : memref<!tpu.dma_semaphore, #tpu.memory_space<semaphore_mem>>) src(%dma_wait3A_309 : memref<1000000xf32, #tpu.memory_space<hbm>>) dst(%dma_wait3A_305 : memref<128xf32, #tpu.memory_space<vmem>>)
    %dma_wait3A_310 = arith.constant 1408 : i32
    %dma_wait3A_311 = tpu.memref_slice %arg14[%dma_wait3A_310] : memref<1600xf32, #tpu.memory_space<vmem>> -> memref<128xf32, #tpu.memory_space<vmem>>
    %dma_wait3A_312 = arith.constant 1408 : i32
    %dma_wait3A_313 = tpu.memref_slice %arg9[%dma_wait3A_312] : memref<1600xi32, #tpu.memory_space<vmem>> -> memref<128xi32, #tpu.memory_space<vmem>>
    %dma_wait3A_314 = arith.constant 0 : i32
    %dma_wait3A_315 = tpu.memref_slice %arg6[%dma_wait3A_314] : memref<1000xf32, #tpu.memory_space<hbm>> -> memref<1000xf32, #tpu.memory_space<hbm>>
    tpu.wait_indirect_dma semaphore(%arg20 : memref<!tpu.dma_semaphore, #tpu.memory_space<semaphore_mem>>) src(%dma_wait3A_315 : memref<1000xf32, #tpu.memory_space<hbm>>) dst(%dma_wait3A_311 : memref<128xf32, #tpu.memory_space<vmem>>)
    %dma_wait3A_316 = arith.constant 1536 : i32
    %dma_wait3A_317 = tpu.memref_slice %arg13[%dma_wait3A_316] : memref<1600xf32, #tpu.memory_space<vmem>> -> memref<64xf32, #tpu.memory_space<vmem>>
    %dma_wait3A_318 = arith.constant 1536 : i32
    %dma_wait3A_319 = tpu.memref_slice %arg10[%dma_wait3A_318] : memref<1600xi32, #tpu.memory_space<vmem>> -> memref<64xi32, #tpu.memory_space<vmem>>
    %dma_wait3A_320 = arith.constant 0 : i32
    %dma_wait3A_321 = tpu.memref_slice %arg5[%dma_wait3A_320] : memref<1000000xf32, #tpu.memory_space<hbm>> -> memref<1000000xf32, #tpu.memory_space<hbm>>
    tpu.wait_indirect_dma semaphore(%arg20 : memref<!tpu.dma_semaphore, #tpu.memory_space<semaphore_mem>>) src(%dma_wait3A_321 : memref<1000000xf32, #tpu.memory_space<hbm>>) dst(%dma_wait3A_317 : memref<64xf32, #tpu.memory_space<vmem>>)
    %dma_wait3A_322 = arith.constant 1536 : i32
    %dma_wait3A_323 = tpu.memref_slice %arg14[%dma_wait3A_322] : memref<1600xf32, #tpu.memory_space<vmem>> -> memref<64xf32, #tpu.memory_space<vmem>>
    %dma_wait3A_324 = arith.constant 1536 : i32
    %dma_wait3A_325 = tpu.memref_slice %arg9[%dma_wait3A_324] : memref<1600xi32, #tpu.memory_space<vmem>> -> memref<64xi32, #tpu.memory_space<vmem>>
    %dma_wait3A_326 = arith.constant 0 : i32
    %dma_wait3A_327 = tpu.memref_slice %arg6[%dma_wait3A_326] : memref<1000xf32, #tpu.memory_space<hbm>> -> memref<1000xf32, #tpu.memory_space<hbm>>
    tpu.wait_indirect_dma semaphore(%arg20 : memref<!tpu.dma_semaphore, #tpu.memory_space<semaphore_mem>>) src(%dma_wait3A_327 : memref<1000xf32, #tpu.memory_space<hbm>>) dst(%dma_wait3A_323 : memref<64xf32, #tpu.memory_space<vmem>>)
    %broadcast_in_dim3A = arith.constant 0.000000e+00 : f32
    %broadcast_in_dim3A_328 = vector.broadcast %broadcast_in_dim3A : f32 to vector<16xf32>
    %scan3A_329 = arith.constant 0 : i32
    %scan3A_330 = arith.constant 100 : i32
    %scan3A_331 = arith.addi %scan3A_329, %scan3A_330 : i32
    %scan3A_332 = arith.constant 1 : i32
    %scan3A_333 = scf.for %scan3A_341 = %scan3A_329 to %scan3A_331 step %scan3A_332 iter_args(%scan3A_342 = %broadcast_in_dim3A_328) -> (vector<16xf32>)  : i32 {
      %mul3A_343 = arith.constant 16 : i32
      %mul3A_344 = arith.muli %scan3A_341, %mul3A_343 : i32
      %get3A = arith.index_cast %mul3A_344 : i32 to index
      %get3A_345 = tpu.vector_load %arg14[%get3A] {strides = array<i32>} : memref<1600xf32, #tpu.memory_space<vmem>>, vector<16xf32>,
      %get3A_346 = vector.shape_cast %get3A_345 : vector<16xf32> to vector<16xf32>
      %get3A_347 = arith.index_cast %mul3A_344 : i32 to index
      %get3A_348 = tpu.vector_load %arg13[%get3A_347] {strides = array<i32>} : memref<1600xf32, #tpu.memory_space<vmem>>, vector<16xf32>,
      %get3A_349 = vector.shape_cast %get3A_348 : vector<16xf32> to vector<16xf32>
      %sub3A = arith.subf %get3A_346, %get3A_349 : vector<16xf32>
      %add3A_350 = arith.addf %scan3A_342, %sub3A : vector<16xf32>
      scf.yield %add3A_350 : vector<16xf32>
    }
    %scan3A_334 = arith.constant 100 : i32
    %mul3A_335 = arith.constant 1.95312496E-5 : f32
    %mul3A_336 = vector.broadcast %mul3A_335 : f32 to vector<16xf32>
    %mul3A_337 = arith.mulf %scan3A_333, %mul3A_336 : vector<16xf32>
    %swap3A = arith.constant 0 : index
    %swap3A_338 = tpu.vector_load %arg15[%swap3A] {strides = array<i32>} : memref<16xf32, #tpu.memory_space<vmem>>, vector<16xf32>,
    %swap3A_339 = vector.shape_cast %swap3A_338 : vector<16xf32> to vector<16xf32>
    %swap3A_340 = vector.shape_cast %mul3A_337 : vector<16xf32> to vector<16xf32>
    tpu.vector_store %arg15[%swap3A], %swap3A_340 {strides = array<i32>} : memref<16xf32, #tpu.memory_space<vmem>>, vector<16xf32>,
    "tpu.region"() ({
      %run_scoped3A = tpu.sem_alloc : memref<!tpu.dma_semaphore, #tpu.memory_space<semaphore_mem>>
      %dma_start3A_341 = arith.constant 0 : i32
      %dma_start3A_342 = tpu.memref_slice %arg8[%add3A, %dma_start3A_341] : memref<32x16xf32, #tpu.memory_space<hbm>> -> memref<1x16xf32, #tpu.memory_space<hbm>>
      %dma_start3A_343 = tpu.memref_squeeze %dma_start3A_342 : memref<1x16xf32, #tpu.memory_space<hbm>> -> memref<16xf32, #tpu.memory_space<hbm>>
      %dma_start3A_344 = arith.constant 0 : i32
      %dma_start3A_345 = tpu.memref_slice %arg8[%add3A, %dma_start3A_344] : memref<32x16xf32, #tpu.memory_space<hbm>> -> memref<1x16xf32, #tpu.memory_space<hbm>>
      %dma_start3A_346 = tpu.memref_squeeze %dma_start3A_345 : memref<1x16xf32, #tpu.memory_space<hbm>> -> memref<16xf32, #tpu.memory_space<hbm>>
      tpu.enqueue_dma source(%arg15 : memref<16xf32, #tpu.memory_space<vmem>>) target(%dma_start3A_346 : memref<16xf32, #tpu.memory_space<hbm>>) target_semaphore(%run_scoped3A : memref<!tpu.dma_semaphore, #tpu.memory_space<semaphore_mem>>)
      %dma_wait3A_347 = arith.constant 0 : i32
      %dma_wait3A_348 = tpu.memref_slice %arg8[%add3A, %dma_wait3A_347] : memref<32x16xf32, #tpu.memory_space<hbm>> -> memref<1x16xf32, #tpu.memory_space<hbm>>
      %dma_wait3A_349 = tpu.memref_squeeze %dma_wait3A_348 : memref<1x16xf32, #tpu.memory_space<hbm>> -> memref<16xf32, #tpu.memory_space<hbm>>
      %dma_wait3A_350 = arith.constant 0 : i32
      %dma_wait3A_351 = tpu.memref_slice %arg8[%add3A, %dma_wait3A_350] : memref<32x16xf32, #tpu.memory_space<hbm>> -> memref<1x16xf32, #tpu.memory_space<hbm>>
      %dma_wait3A_352 = tpu.memref_squeeze %dma_wait3A_351 : memref<1x16xf32, #tpu.memory_space<hbm>> -> memref<16xf32, #tpu.memory_space<hbm>>
      tpu.wait_dma2 semaphore(%run_scoped3A : memref<!tpu.dma_semaphore, #tpu.memory_space<semaphore_mem>>) src(%arg15 : memref<16xf32, #tpu.memory_space<vmem>>) dst(%dma_wait3A_352 : memref<16xf32, #tpu.memory_space<hbm>>)
      tpu.yield
    }) : () -> ()
    return
  }
}

module attributes {stable_mosaic.version = 14 : i64} {
  func.func @body(%arg0: memref<1000x1000xf32, #tpu.memory_space<vmem>>, %arg1: memref<1000x1xf32, #tpu.memory_space<vmem>>) attributes {dimension_semantics = [], scalar_prefetch = 0 : i64, scratch_operands = 0 : i64, tpu.core_type = #tpu.core_type<tc>} {
    %get3A = arith.constant 0 : index
    %get3A_0 = arith.constant 0 : index
    %get3A_1 = vector.load %arg0[%get3A, %get3A_0] : memref<1000x1000xf32, #tpu.memory_space<vmem>>, vector<1000x1000xf32>
    %reduce_max3A = arith.constant dense<0xFF800000> : vector<1000xf32>
    %reduce_max3A_2 = vector.multi_reduction <maximumf>, %get3A_1, %reduce_max3A [1] : vector<1000x1000xf32> to vector<1000xf32>
    %broadcast_in_dim3A = vector.shape_cast %reduce_max3A_2 : vector<1000xf32> to vector<1000x1xf32>
    %sub3A = vector.broadcast %broadcast_in_dim3A : vector<1000x1xf32> to vector<1000x1000xf32>
    %sub3A_3 = arith.subf %get3A_1, %sub3A : vector<1000x1000xf32>
    %exp3A = math.exp %sub3A_3 : vector<1000x1000xf32>
    %reduce_sum3A = arith.constant dense<0.000000e+00> : vector<1000xf32>
    %reduce_sum3A_4 = vector.multi_reduction <add>, %exp3A, %reduce_sum3A [1] : vector<1000x1000xf32> to vector<1000xf32>
    %broadcast_in_dim3A_5 = vector.shape_cast %reduce_sum3A_4 : vector<1000xf32> to vector<1000x1xf32>
    %log3A = math.log %broadcast_in_dim3A_5 : vector<1000x1xf32>
    %add3A = arith.addf %log3A, %broadcast_in_dim3A : vector<1000x1xf32>
    %swap3A = arith.constant 0 : index
    %swap3A_6 = arith.constant 0 : index
    %swap3A_7 = vector.load %arg1[%swap3A, %swap3A_6] : memref<1000x1xf32, #tpu.memory_space<vmem>>, vector<1000x1xf32>
    tpu.vector_store %arg1[%swap3A, %swap3A_6], %add3A {strides = array<i32>} : memref<1000x1xf32, #tpu.memory_space<vmem>>, vector<1000x1xf32>,
    return
  }
}

</mosaic_0001>

<sc_bundles>
// kernel: kernel.4.cloned.1.call-start
scs
__scs_entry_jumppad:
0x0: {  	(pc) =	sbr.rel $0x88, $3  }
0x1: {  	(tag) =	ssettag $0x0;
	lr =	simm.s32 $0x1  }
0x2: {  	[smem:$0x3F9E] =	sst lr;
	_ =	strace $0xD0000000  }
0x3: {  	_ = 	snop  }
0x4: {  	_ = 	snop  }
0x5: {  	_ = 	snop  }
0x6: {  	_ = 	snop  }
0x7: {  	_ = 	snop  }
__scs_overlays_trampoline_lowered:
0x8: {  	[smem:$0x3FAD] =	sst s0  }
0x9: {  	[smem:$0x3FAE] =	sst s1  }
0xa: {  	[smem:$0x3FAF] =	sst s2  }
0xb: {  	[smem:$0x3FB0] =	sst s3  }
0xc: {  	[smem:$0x3FB1] =	sst s4  }
0xd: {  	[smem:$0x3FB2] =	sst s5  }
0xe: {  	[smem:$0x3FB3] =	sst s6  }
0xf: {  	[smem:$0x3FB4] =	sst s7  }
0x10: {  	[smem:$0x3FB5] =	sst s8  }
0x11: {  	[smem:$0x3FB6] =	sst s9;
	s0 =	simm.s32 @!p0 $0x0  }
0x12: {  	s1 =	sld [smem:$0x3F9C];
	s0 =	simm.s32 @p0 $0x1  }
0x13: {  	[smem:$0x3FB7] =	sst s0;
	s0 =	simm.s32 @!p1 $0x0  }
0x14: {  	s2 =	sld [smem:$0x3F9B];
	s0 =	simm.s32 @p1 $0x1  }
0x15: {  	[smem:$0x3FB8] =	sst s0;
	s0 =	simm.s32 @!p2 $0x0  }
0x16: {  	s3 =	sld [smem:$0x3FDB];
	s0 =	simm.s32 @p2 $0x1  }
0x17: {  	s4 =	simm.s32 $0x1BF5;
	[smem:$0x3FBA] =	sst s0  }
0x18: {  	s0 =	sld [smem:$0x3F9D];
	_ =	swait.ge [sflag:s4], $0x0  }
0x19: {  	s7 =	sld [smem:$0x3F9E]  }
0x1a: {  	s8 =	sadd.s32 $0xFFFFE003, lr  }
0x1b: {  	s9 =	sadd.s32 $0xFFFFFEF7, lr;
	s5 =	simm.s32 $0xFFFFFFFF;
	p2 =	slt.u32 s8, $0xFFFFF086  }
0x1c: {  	p1 =	slt.u32 s9, $0xF7A;
	s5 =	simm.s32 @!p2 $0x0  }
0x1d: {  	s5 =	simm.s32 @p1 $0x1;
	p0 =	seq.s32 s7, s2  }
0x1e: {  	s7 =	smul.u32 @!p0 $0xF7A, s2;
	p2 =	seq.s32 @!p0 s5, $0x0  }
0x1f: {  	s9 =	smul.u32 $0xF7A, s1;
	s8 =	simm.s32 @!p0 $0x1BF5;
	p2 =	por !p2, p0  }
0x20: {  	[sflag:s8] =	ssyncset.s32 @!p0 $0xFFFFF086;
	s6 =	sadd.s32 @!p0 s3, s7;
	s7 =	simm.s32 @!p0 $0x108  }
0x21: {  	s3 =	sadd.s32 s3, s9;
	s6 =	sadd.s32 @!p0 $0x88, s6;
	s7 =	simm.s32 @p2 $0x1082  }
0x22: {  	[simem:s7], [sflag:s8] =	dma.local @!p0 [hbm:s6], $0xF7A  }
0x23: {  	s9 =	sor.u32 $0xD0000000, s2;
	s6 =	simm.s32 $0x108;
	_ =	swait.ge @!p0 [sflag:s8], $0x0  }
0x24: {  	s3 =	sadd.s32 $0x88, s3;
	s6 =	simm.s32 @!p1 $0x1082;
	[sflag:s4] =	ssyncset.s32 $0xFFFFF086  }
0x25: {  	[simem:s6], [sflag:s4] =	dma.local [hbm:s3], $0xF7A  }
0x26: {  	[smem:$0x3F9E] =	sst s1;
	(tag) =	ssettag s2;
	_ =	strace s9  }
0x27: {  	s1 =	sld [smem:$0x3FAE]  }
0x28: {  	s2 =	sld [smem:$0x3FAF]  }
0x29: {  	s4 =	sld [smem:$0x3FB1]  }
0x2a: {  	p0 =	seq.s32 s5, $0x0;
	s5 =	sld [smem:$0x3FB2]  }
0x2b: {  	s6 =	sld [smem:$0x3FB3]  }
0x2c: {  	s7 =	sld [smem:$0x3FB4]  }
0x2d: {  	s3 =	simm.s32 $0x108;
	s8 =	sld [smem:$0x3FB5]  }
0x2e: {  	s3 =	simm.s32 @!p0 $0x1082;
	s9 =	sld [smem:$0x3FB6]  }
0x2f: {  	lr =	sadd.s32 s0, s3;
	s0 =	sld [smem:$0x3FAD]  }
0x30: {  	s3 =	sld [smem:$0x3FB0]  }
0x31: {  	[smem:$0x3FB9] =	sst s10  }
0x32: {  	s10 =	sld [smem:$0x3FB7];
	_ =	sdelay $0x3  }
0x33: {  	p0 =	seq.s32 s10, $0x1;
	s10 =	sld [smem:$0x3FB9];
	_ =	sdelay $0x3  }
0x34: {  	[smem:$0x3FB9] =	sst s10  }
0x35: {  	s10 =	sld [smem:$0x3FB8];
	_ =	sdelay $0x3  }
0x36: {  	p1 =	seq.s32 s10, $0x1;
	s10 =	sld [smem:$0x3FB9];
	_ =	sdelay $0x3  }
0x37: {  	[smem:$0x3FB9] =	sst s10  }
0x38: {  	s10 =	sld [smem:$0x3FBA]  }
0x39: {  	_ = 	snop;
	(pc) =	sbr.ind lr, $3  }
0x3a: {  	_ = 	snop  }
0x3b: {  	_ = 	snop  }
0x3c: {  	p2 =	seq.s32 s10, $0x1;
	s10 =	sld [smem:$0x3FB9]  }
0x3d: {  	_ =	shalt  }
0x3e: {  	_ =	shalt  }
0x3f: {  	_ =	shalt  }
0x40: {  	_ =	shalt  }
0x41: {  	_ =	shalt  }
0x42: {  	_ =	shalt  }
0x43: {  	_ =	shalt  }
0x44: {  	_ =	shalt  }
0x45: {  	_ =	shalt  }
0x46: {  	_ =	shalt  }
0x47: {  	_ =	shalt  }
0x48: {  	_ =	shalt  }
0x49: {  	_ =	shalt  }
0x4a: {  	_ =	shalt  }
0x4b: {  	_ =	shalt  }
0x4c: {  	_ =	shalt  }
0x4d: {  	_ =	shalt  }
0x4e: {  	_ =	shalt  }
0x4f: {  	_ =	shalt  }
0x50: {  	_ =	shalt  }
0x51: {  	_ =	shalt  }
0x52: {  	_ =	shalt  }
0x53: {  	_ =	shalt  }
0x54: {  	_ =	shalt  }
0x55: {  	_ =	shalt  }
0x56: {  	_ =	shalt  }
0x57: {  	_ =	shalt  }
0x58: {  	_ =	shalt  }
0x59: {  	_ =	shalt  }
0x5a: {  	_ =	shalt  }
0x5b: {  	_ =	shalt  }
0x5c: {  	_ =	shalt  }
0x5d: {  	_ =	shalt  }
0x5e: {  	_ =	shalt  }
0x5f: {  	_ =	shalt  }
0x60: {  	_ =	shalt  }
0x61: {  	_ =	shalt  }
0x62: {  	_ =	shalt  }
0x63: {  	_ =	shalt  }
0x64: {  	_ =	shalt  }
0x65: {  	_ =	shalt  }
0x66: {  	_ =	shalt  }
0x67: {  	_ =	shalt  }
0x68: {  	_ =	shalt  }
0x69: {  	_ =	shalt  }
0x6a: {  	_ =	shalt  }
0x6b: {  	_ =	shalt  }
0x6c: {  	_ =	shalt  }
0x6d: {  	_ =	shalt  }
0x6e: {  	_ =	shalt  }
0x6f: {  	_ =	shalt  }
0x70: {  	_ =	shalt  }
0x71: {  	_ =	shalt  }
0x72: {  	_ =	shalt  }
0x73: {  	_ =	shalt  }
0x74: {  	_ =	shalt  }
0x75: {  	_ =	shalt  }
0x76: {  	_ =	shalt  }
0x77: {  	_ =	shalt  }
0x78: {  	_ =	shalt  }
0x79: {  	_ =	shalt  }
0x7a: {  	_ =	shalt  }
0x7b: {  	_ =	shalt  }
0x7c: {  	_ =	shalt  }
0x7d: {  	_ =	shalt  }
0x7e: {  	_ =	shalt  }
0x7f: {  	_ =	shalt  }
0x80: {  	_ =	shalt  }
0x81: {  	_ =	shalt  }
0x82: {  	_ =	shalt  }
0x83: {  	_ =	shalt  }
0x84: {  	_ =	shalt  }
0x85: {  	_ =	shalt  }
0x86: {  	_ =	shalt  }
0x87: {  	_ =	shalt  }
.Lfunc_end0:
.L_simem_size_0:
called_computation.1_lowered:
.L_overlay_start_0:
0x88: {  	s2 =	sld [smem:$0x3FD9]  }
0x89: {  	s3 =	sld [smem:$0x3FFE];
	_ =	sdelay $0x1  }
0x8a: {  	s1 =	srdreg.scid  }
0x8b: {  	s0 =	sand.u32 $0x1, s1  }
0x8c: {  	s14 =	sshll.u32 s0, $0xA;
	s2 =	sadd.s32 s3, s2  }
0x8d: {  	s2 =	sadd.s32 s2, s14  }
0x8e: {  	[smem:$0x3FC5] =	sst s2  }
0x8f: {  	_ = 	snop  }
0x90: {  	s2 =	sld [smem:$0x3FD0];
	_ =	sdelay $0x2  }
0x91: {  	s15 =	simm.s32 $0xA;
	s4 =	simm.s32 $0x10  }
0x92: {  	[smem:s4], [sflag:s15] =	dma.local [hbm:s2], $0x1  }
0x93: {  	_ =	swait.eq [sflag:s15], $0x1  }
0x94: {  	[sflag:s15] =	ssyncset.done $0x0  }
0x95: {  	[sflag:s15] =	ssyncadd.s32 $0xFFFFFFFF  }
0x96: {  	s16 =	sld [smem:$0x10];
	(tm) =	ssettm $0x1  }
0x97: {  	s17 =	sld [smem:$0x3FFB];
	_ =	sdelay $0x3  }
0x98: {  	_ =	strace s17  }
0x99: {  	s3 =	sld [smem:$0x3FFC];
	_ =	sdelay $0x3  }
0x9a: {  	_ =	strace s3  }
0x9b: {  	s3 =	sld [smem:$0x3FFD];
	_ =	sdelay $0x3  }
0x9c: {  	_ =	strace s3  }
0x9d: {  	_ =	strace $0x8FFFFFFF  }
0x9e: {  	s18 =	sld [smem:$0x3FDB];
	_ =	sdelay $0x1  }
0x9f: {  	s19 =	simm.s32 $_scs_section_size  }
0xa0: {  	s5 =	simm.s32 $_size__tile_overlayer_lowered;
	s6 =	simm.s32 $_tile_overlayer_lowered  }
0xa1: {  	s22 =	simm.s32 $0x1BFF;
	s21 =	sshll.u32 s6, $0x1;
	s3 =	sadd.s32 s19, s18  }
0xa2: {  	s7 =	simm.s32 $0x0;
	s20 =	sshll.u32 s5, $0x1;
	s5 =	sadd.s32 s21, s3  }
0xa3: {  	[timem:s7], [sflag:s22] =	dma.local [hbm:s5], s20  }
0xa4: {  	_ =	swait.ge [sflag:s22], s20  }
0xa5: {  	s4 =	ssub.s32 $0x0, s20;
	[sflag:s22] =	ssyncset.done $0x0  }
0xa6: {  	[sflag:s22] =	ssyncadd.s32 s4;
	_ =	sdelay $0x1  }
0xa7: {  	s23 =	simm.s32 $0x1B8B  }
0xa8: {  	_ =	swait.ge [sflag:s23], $0x1  }
0xa9: {  	[sflag:s23] =	ssyncset.done $0x0  }
0xaa: {  	s25 =	simm.s32 $0x1B8E;
	s24 =	sld [smem:$0x3FFE];
	[sflag:s23] =	ssyncadd.s32 $0xFFFFFFFF  }
0xab: {  	s26 =	simm.s32 $execute0_lowered;
	[smem:$0x3FD2] =	sst s25  }
0xac: {  	s5 =	sshll.u32 s26, $0x1;
	_ =	strace $0x80000046;
	[dreg:$0x1] =	wrdreg $0xFFFFFFFF  }
0xad: {  	s28 =	simm.s32 $_size_execute0_lowered;
	s3 =	sadd.s32 s3, s5;
	[dreg:$0x0] =	wrdreg $0x0  }
0xae: {  	s5 =	sshll.u32 s28, $0x1;
	[dreg:$0x2] =	wrdreg s3  }
0xaf: {  	[dreg:$0x3] =	wrdreg s5  }
0xb0: {  	[dreg:$0x4] =	wrdreg $0xC0  }
0xb1: {  	_ =	task [dreg:s7], $0x5FFFF  }
0xb2: {  	[dreg:$0x1] =	wrdreg $0xFFFFFFFF  }
0xb3: {  	[dreg:$0x0] =	wrdreg $0x60  }
0xb4: {  	[dreg:$0x2] =	wrdreg s24  }
0xb5: {  	[dreg:$0x3] =	wrdreg s16  }
0xb6: {  	[dreg:$0x4] =	wrdreg $0x9  }
0xb7: {  	_ =	task.clear_ibuf [dreg:s7], $0x5FFFF;
	_ =	strace $0x90000046  }
0xb8: {  	s29 =	simm.s32 $0x9;
	_ =	strace $0x80000048  }
0xb9: {  	_ =	swait.ge [sflag:s29], $0x1  }
0xba: {  	[sflag:s29] =	ssyncadd.s32 $0xFFFFFFFF  }
0xbb: {  	_ =	strace $0x90000048  }
0xbc: {  	_ =	sfence  }
0xbd: {  	s30 =	sld [smem:$0x0];
	_ =	sdelay $0x2  }
0xbe: {  	s31 =	sshll.u32 s1, $0xD;
	s1 =	sshrl.u32 s1, $0x2  }
0xbf: {  	s3 =	sand.u32 $0x4000, s31;
	s1 =	sadd.s32 s1, s30  }
0xc0: {  	s0 =	sor.u32 s3, s0;
	s1 =	sshll.u32 s1, $0x11  }
0xc1: {  	s0 =	sor.u32 s1, s0  }
0xc2: {  	s0 =	sadd.s32 $0x8F2B, s0  }
0xc3: {  	[sflag:s0] =	ssyncadd.remote.s32 $0x1  }
0xc4: {  	_ =	sfence.sel $0xFFFF  }
0xc5: {  	[dreg:$0x0] =	wrdreg $0xFFFFFFFF;
	(pc) =	sbr.abs _section_cstart, $3  }
0xc6: {  	[dreg:$0x1] =	wrdreg $0xFFFFFFFF  }
0xc7: {  	_ =	task.clear_ibuf [dreg:s7], $0x2FFFF;
	_ =	strace $0x9FFFFFFF  }
0xc8: {  	(tm) =	ssettm $0x7FFFFFFF  }
0xc9: {  	_ =	shalt  }
tec
execute0_lowered:
.L_overlay_start_1:
0x0: {  	(tag) =	ssettag $0x1  }
0x1: {  	s0 =	srdreg.scid;
	s1 =	rddreg [dreg:$0x0]  }
0x2: {  	s6 =	stileid.u32;
	s2 =	rddreg [dreg:$0x1];
	s17 =	simm.s32 $0x6  }
0x3: {  	s16 =	simm.s32 $0xD00;
	s11 =	simm.s32 $0xAD00;
	s19 =	simm.s32 $0xB500  }
0x4: {  	s20 =	simm.s32 $0xDD00;
	s21 =	simm.s32 $0xE500;
	s28 =	simm.s32 $0x11500  }
0x5: {  	s29 =	simm.s32 $0x11D00;
	s30 =	simm.s32 $0x12500;
	s31 =	simm.s32 $0x12D00  }
0x6: {  	s15 =	simm.s32 $0x1;
	s12 =	simm.s32 $0x5;
	s13 =	simm.s32 $0x0  }
0x7: {  	s0 =	sand.u32 $0x1, s0;
	s3 =	sshll.u32 s6, $0x1;
	s7 =	sadd.s32 $0xC00, s1  }
0x8: {  	s6 =	smul.u32 $0x64000, s6;
	s22 =	sadd.s32 $0x21000, s1;
	s8 =	sadd.s32 $0x100, s2  }
0x9: {  	s9 =	sadd.s32 $0x200, s2;
	s10 =	sadd.s32 $0x300, s2;
	s4 =	sor.u32 s0, s3  }
0xa: {  	s3 =	simm.s32 $0x0;
	s23 =	ssub.s32 $0x2, s0;
	s0 =	smul.u32 $0x32000, s0  }
0xb: {  	s5 =	smul.u32 $0x640, s4;
	[smem:$0x7FF] =	sst s3;
	s4 =	sshll.u32 s4, $0x4  }
0xc: {  	s6 =	sadd.s32 s6, s1;
	_ =	strace $0x80000047;
	[dreg:$0x3] =	wrdreg s7  }
0xd: {  	s24 =	sshrl.u32 s23, $0x1;
	[dreg:$0x4] =	wrdreg s22;
	s0 =	sadd.s32 s0, s6  }
0xe: {  	s6 =	simm.s32 $0x14500;
	s7 =	simm.s32 $0x4;
	s5 =	sshrl.u32 s5, $0x3  }
0xf: {  	s0 =	sadd.s32 $0x22E00, s0;
	s5 =	sadd.s32 s5, s1;
	s1 =	sadd.s32 s4, s1  }
0x10: {  	s4 =	ssub.s32 s23, s24;
	[dreg:$0x9] =	wrdreg s0;
	s25 =	sadd.s32 $0x1F600, s5  }
0x11: {  	s23 =	simm.s32 $0xF500;
	s5 =	sadd.s32 $0x21200, s5;
	[dreg:$0x5] =	wrdreg s25  }
0x12: {  	s24 =	simm.s32 $0xFD00;
	s1 =	sadd.s32 $0x22C00, s1;
	[dreg:$0x6] =	wrdreg s5  }
0x13: {  	v2 =	vlaneseq.u32;
	s0 =	simm.s32 $0x13D00;
	s26 =	smax.u32 s4, $0x1;
	[dreg:$0x7] =	wrdreg s1  }
0x14: {  	vm0 =	vmmov $0xffff;
	v1 =	vshrl.u32 v2, $0x3;
	s4 =	simm.s32 $0x3;
	[dreg:$0x8] =	wrdreg s26;
	s25 =	simm.s32 $0x10500  }
0x15: {  	v0 =	vand.u32 $0x7, v2;
	v2 =	vor.u32 $0x8, v2;
	v1 =	vmul.u32 $0x8, v1;
	s26 =	simm.s32 $0x10D00;
	s1 =	simm.s32 $0x13500;
	s5 =	simm.s32 $0x2  }
.LBB2_1:
0x16: {  	[dreg:$0xa] =	wrdreg s13  }
0x17: {  	s14 =	rddreg [dreg:$0x5]  }
0x18: {  	[tilespmem:s3], [sflag:$0x6] =	stream.linear.gather [hbm4b:s14+s3], $0x640, $0x38;
	[tilespmem:$0x15A80] =	vst v63  }
0x19: {  	_ =	swait.ge [sflag:s17], $0x640  }
0x1a: {  	[sflag:s17] =	ssyncset.done $0x0  }
0x1b: {  	s18 =	simm.s32 $0x680;
	s13 =	rddreg [dreg:$0x6];
	[sflag:s17] =	ssyncadd.s32 $0xFFFFF9C0  }
0x1c: {  	[tilespmem:s18], [sflag:$0x6] =	stream.linear.gather [hbm4b:s13+s3], $0x640, $0x38;
	[tilespmem:$0x15A80] =	vst v63  }
0x1d: {  	_ =	swait.ge [sflag:s17], $0x640  }
0x1e: {  	[sflag:s17] =	ssyncset.done $0x0  }
0x1f: {  	[sflag:s17] =	ssyncadd.s32 $0xFFFFF9C0  }
0x20: {  	v3 =	vld [tilespmem:$0x0];
	_ =	sdelay $0x4  }
0x21: {  	v4 =	vshll.u32 v3, $0x3  }
0x22: {  	v3 =	vand.u32 $0x7, v3;
	v4 =	vand.u32 $0xFFFFFFC0, v4  }
0x23: {  	v3 =	vor.u32 v3, v4  }
0x24: {  	v4 =	vperm.xlane v3, v0;
	_ =	sdelay $0x1  }
0x25: {  	v4 =	vadd.s32 v1, v4;
	_ =	sdelay $0x4  }
0x26: {  	[tilespmem:s16], [sflag:$0x1] =	stream.indirect_vreg.gather [hbm4b:s2+s3], $0x80, v4, vm0, $0xb8;
	[tilespmem:$0x15A80] =	vst v63  }
0x27: {  	v3 =	vperm.xlane v3, v2;
	s16 =	simm.s32 $0x1500  }
0x28: {  	[tilespmem:s16], [sflag:$0x1] =	stream.indirect_vreg.gather [hbm4b:s8+s3], $0x80, v4, vm0, $0xb8;
	[tilespmem:$0x15A80] =	vst v63  }
0x29: {  	s17 =	simm.s32 $0x1D00;
	v3 =	vadd.s32 v1, v3  }
0x2a: {  	[tilespmem:s17], [sflag:$0x1] =	stream.indirect_vreg.gather [hbm4b:s9+s3], $0x80, v4, vm0, $0xb8;
	[tilespmem:$0x15A80] =	vst v63  }
0x2b: {  	s22 =	simm.s32 $0x2500  }
0x2c: {  	[tilespmem:s22], [sflag:$0x1] =	stream.indirect_vreg.gather [hbm4b:s10+s3], $0x80, v4, vm0, $0xb8;
	[tilespmem:$0x15A80] =	vst v63  }
0x2d: {  	s13 =	simm.s32 $0x2D00  }
0x2e: {  	[tilespmem:s13], [sflag:$0x1] =	stream.indirect_vreg.gather [hbm4b:s2+s3], $0x80, v3, vm0, $0xb8;
	[tilespmem:$0x15A80] =	vst v63  }
0x2f: {  	s16 =	simm.s32 $0x3500  }
0x30: {  	[tilespmem:s16], [sflag:$0x1] =	stream.indirect_vreg.gather [hbm4b:s8+s3], $0x80, v3, vm0, $0xb8;
	[tilespmem:$0x15A80] =	vst v63  }
0x31: {  	s17 =	simm.s32 $0x3D00  }
0x32: {  	[tilespmem:s17], [sflag:$0x1] =	stream.indirect_vreg.gather [hbm4b:s9+s3], $0x80, v3, vm0, $0xb8;
	[tilespmem:$0x15A80] =	vst v63  }
0x33: {  	s22 =	simm.s32 $0x4500  }
0x34: {  	[tilespmem:s22], [sflag:$0x1] =	stream.indirect_vreg.gather [hbm4b:s10+s3], $0x80, v3, vm0, $0xb8;
	[tilespmem:$0x15A80] =	vst v63  }
0x35: {  	v3 =	vld [tilespmem:$0x10];
	_ =	sdelay $0x4  }
0x36: {  	v59 =	vshll.u32 v3, $0x3  }
0x37: {  	v3 =	vand.u32 $0x7, v3;
	v4 =	vand.u32 $0xFFFFFFC0, v59  }
0x38: {  	v3 =	vor.u32 v3, v4  }
0x39: {  	v4 =	vperm.xlane v3, v0;
	_ =	sdelay $0x1  }
0x3a: {  	v4 =	vadd.s32 v1, v4;
	_ =	sdelay $0x3  }
0x3b: {  	s13 =	simm.s32 $0x4D00  }
0x3c: {  	[tilespmem:s13], [sflag:$0x1] =	stream.indirect_vreg.gather [hbm4b:s2+s3], $0x80, v4, vm0, $0xb8;
	[tilespmem:$0x15A80] =	vst v63  }
0x3d: {  	s16 =	simm.s32 $0x5500;
	v3 =	vperm.xlane v3, v2  }
0x3e: {  	[tilespmem:s16], [sflag:$0x1] =	stream.indirect_vreg.gather [hbm4b:s8+s3], $0x80, v4, vm0, $0xb8;
	[tilespmem:$0x15A80] =	vst v63  }
0x3f: {  	s17 =	simm.s32 $0x5D00;
	v3 =	vadd.s32 v1, v3  }
0x40: {  	[tilespmem:s17], [sflag:$0x1] =	stream.indirect_vreg.gather [hbm4b:s9+s3], $0x80, v4, vm0, $0xb8;
	[tilespmem:$0x15A80] =	vst v63  }
0x41: {  	s22 =	simm.s32 $0x6500  }
0x42: {  	[tilespmem:s22], [sflag:$0x1] =	stream.indirect_vreg.gather [hbm4b:s10+s3], $0x80, v4, vm0, $0xb8;
	[tilespmem:$0x15A80] =	vst v63  }
0x43: {  	s13 =	simm.s32 $0x6D00  }
0x44: {  	[tilespmem:s13], [sflag:$0x1] =	stream.indirect_vreg.gather [hbm4b:s2+s3], $0x80, v3, vm0, $0xb8;
	[tilespmem:$0x15A80] =	vst v63  }
0x45: {  	s16 =	simm.s32 $0x7500  }
0x46: {  	[tilespmem:s16], [sflag:$0x1] =	stream.indirect_vreg.gather [hbm4b:s8+s3], $0x80, v3, vm0, $0xb8;
	[tilespmem:$0x15A80] =	vst v63  }
0x47: {  	s17 =	simm.s32 $0x7D00  }
0x48: {  	[tilespmem:s17], [sflag:$0x1] =	stream.indirect_vreg.gather [hbm4b:s9+s3], $0x80, v3, vm0, $0xb8;
	[tilespmem:$0x15A80] =	vst v63  }
0x49: {  	s22 =	simm.s32 $0x8500  }
0x4a: {  	[tilespmem:s22], [sflag:$0x1] =	stream.indirect_vreg.gather [hbm4b:s10+s3], $0x80, v3, vm0, $0xb8;
	[tilespmem:$0x15A80] =	vst v63  }
0x4b: {  	v3 =	vld.msk [tilespmem:$0x20], $0xff;
	_ =	sdelay $0x4  }
0x4c: {  	v60 =	vshll.u32 v3, $0x3  }
0x4d: {  	v3 =	vand.u32 $0x7, v3;
	v4 =	vand.u32 $0xFFFFFFC0, v60  }
0x4e: {  	v3 =	vor.u32 v3, v4  }
0x4f: {  	v3 =	vperm.xlane v3, v0;
	_ =	sdelay $0x1  }
0x50: {  	v3 =	vadd.s32 v1, v3;
	_ =	sdelay $0x3  }
0x51: {  	s13 =	simm.s32 $0x8D00  }
0x52: {  	[tilespmem:s13], [sflag:$0x1] =	stream.indirect_vreg.gather [hbm4b:s2+s3], $0x80, v3, vm0, $0xb8;
	[tilespmem:$0x15A80] =	vst v63  }
0x53: {  	s16 =	simm.s32 $0x9500  }
0x54: {  	[tilespmem:s16], [sflag:$0x1] =	stream.indirect_vreg.gather [hbm4b:s8+s3], $0x80, v3, vm0, $0xb8;
	[tilespmem:$0x15A80] =	vst v63  }
0x55: {  	s17 =	simm.s32 $0x9D00  }
0x56: {  	[tilespmem:s17], [sflag:$0x1] =	stream.indirect_vreg.gather [hbm4b:s9+s3], $0x80, v3, vm0, $0xb8;
	[tilespmem:$0x15A80] =	vst v63  }
0x57: {  	s22 =	simm.s32 $0xA500  }
0x58: {  	[tilespmem:s22], [sflag:$0x1] =	stream.indirect_vreg.gather [hbm4b:s10+s3], $0x80, v3, vm0, $0xb8;
	[tilespmem:$0x15A80] =	vst v63  }
0x59: {  	v3 =	vld [tilespmem:$0x28];
	_ =	sdelay $0x4  }
0x5a: {  	v61 =	vshll.u32 v3, $0x3  }
0x5b: {  	v3 =	vand.u32 $0x7, v3;
	v4 =	vand.u32 $0xFFFFFFC0, v61  }
0x5c: {  	v3 =	vor.u32 v3, v4  }
0x5d: {  	v4 =	vperm.xlane v3, v0;
	_ =	sdelay $0x1  }
0x5e: {  	v4 =	vadd.s32 v1, v4;
	_ =	sdelay $0x4  }
0x5f: {  	[tilespmem:s11], [sflag:$0x2] =	stream.indirect_vreg.gather [hbm4b:s2+s3], $0x80, v4, vm0, $0xb8;
	[tilespmem:$0x15A80] =	vst v63  }
0x60: {  	v3 =	vperm.xlane v3, v2  }
0x61: {  	[tilespmem:s19], [sflag:$0x2] =	stream.indirect_vreg.gather [hbm4b:s8+s3], $0x80, v4, vm0, $0xb8;
	[tilespmem:$0x15A80] =	vst v63  }
0x62: {  	v3 =	vadd.s32 v1, v3;
	s11 =	simm.s32 $0xBD00  }
0x63: {  	[tilespmem:s11], [sflag:$0x2] =	stream.indirect_vreg.gather [hbm4b:s9+s3], $0x80, v4, vm0, $0xb8;
	[tilespmem:$0x15A80] =	vst v63  }
0x64: {  	s13 =	simm.s32 $0xC500  }
0x65: {  	[tilespmem:s13], [sflag:$0x2] =	stream.indirect_vreg.gather [hbm4b:s10+s3], $0x80, v4, vm0, $0xb8;
	[tilespmem:$0x15A80] =	vst v63  }
0x66: {  	s16 =	simm.s32 $0xCD00  }
0x67: {  	[tilespmem:s16], [sflag:$0x2] =	stream.indirect_vreg.gather [hbm4b:s2+s3], $0x80, v3, vm0, $0xb8;
	[tilespmem:$0x15A80] =	vst v63  }
0x68: {  	s17 =	simm.s32 $0xD500  }
0x69: {  	[tilespmem:s17], [sflag:$0x2] =	stream.indirect_vreg.gather [hbm4b:s8+s3], $0x80, v3, vm0, $0xb8;
	[tilespmem:$0x15A80] =	vst v63  }
0x6a: {  	_ = 	snop  }
0x6b: {  	[tilespmem:s20], [sflag:$0x2] =	stream.indirect_vreg.gather [hbm4b:s9+s3], $0x80, v3, vm0, $0xb8;
	[tilespmem:$0x15A80] =	vst v63  }
0x6c: {  	_ = 	snop  }
0x6d: {  	[tilespmem:s21], [sflag:$0x2] =	stream.indirect_vreg.gather [hbm4b:s10+s3], $0x80, v3, vm0, $0xb8;
	[tilespmem:$0x15A80] =	vst v63  }
0x6e: {  	v3 =	vld [tilespmem:$0x38];
	_ =	sdelay $0x4  }
0x6f: {  	v62 =	vshll.u32 v3, $0x3  }
0x70: {  	v3 =	vand.u32 $0x7, v3;
	v4 =	vand.u32 $0xFFFFFFC0, v62  }
0x71: {  	v3 =	vor.u32 v3, v4  }
0x72: {  	v4 =	vperm.xlane v3, v0;
	_ =	sdelay $0x1  }
0x73: {  	v4 =	vadd.s32 v1, v4;
	_ =	sdelay $0x3  }
0x74: {  	s22 =	simm.s32 $0xED00  }
0x75: {  	[tilespmem:s22], [sflag:$0x2] =	stream.indirect_vreg.gather [hbm4b:s2+s3], $0x80, v4, vm0, $0xb8;
	[tilespmem:$0x15A80] =	vst v63  }
0x76: {  	v3 =	vperm.xlane v3, v2  }
0x77: {  	[tilespmem:s23], [sflag:$0x2] =	stream.indirect_vreg.gather [hbm4b:s8+s3], $0x80, v4, vm0, $0xb8;
	[tilespmem:$0x15A80] =	vst v63  }
0x78: {  	v3 =	vadd.s32 v1, v3  }
0x79: {  	[tilespmem:s24], [sflag:$0x2] =	stream.indirect_vreg.gather [hbm4b:s9+s3], $0x80, v4, vm0, $0xb8;
	[tilespmem:$0x15A80] =	vst v63  }
0x7a: {  	_ = 	snop  }
0x7b: {  	[tilespmem:s25], [sflag:$0x2] =	stream.indirect_vreg.gather [hbm4b:s10+s3], $0x80, v4, vm0, $0xb8;
	[tilespmem:$0x15A80] =	vst v63  }
0x7c: {  	_ = 	snop  }
0x7d: {  	[tilespmem:s26], [sflag:$0x2] =	stream.indirect_vreg.gather [hbm4b:s2+s3], $0x80, v3, vm0, $0xb8;
	[tilespmem:$0x15A80] =	vst v63  }
0x7e: {  	_ = 	snop  }
0x7f: {  	[tilespmem:s28], [sflag:$0x2] =	stream.indirect_vreg.gather [hbm4b:s8+s3], $0x80, v3, vm0, $0xb8;
	[tilespmem:$0x15A80] =	vst v63  }
0x80: {  	_ = 	snop  }
0x81: {  	[tilespmem:s29], [sflag:$0x2] =	stream.indirect_vreg.gather [hbm4b:s9+s3], $0x80, v3, vm0, $0xb8;
	[tilespmem:$0x15A80] =	vst v63  }
0x82: {  	_ = 	snop  }
0x83: {  	[tilespmem:s30], [sflag:$0x2] =	stream.indirect_vreg.gather [hbm4b:s10+s3], $0x80, v3, vm0, $0xb8;
	[tilespmem:$0x15A80] =	vst v63  }
0x84: {  	v3 =	vld.msk [tilespmem:$0x48], $0xff;
	_ =	sdelay $0x4  }
0x85: {  	v63 =	vshll.u32 v3, $0x3  }
0x86: {  	v3 =	vand.u32 $0x7, v3;
	v4 =	vand.u32 $0xFFFFFFC0, v63  }
0x87: {  	v3 =	vor.u32 v3, v4  }
0x88: {  	v3 =	vperm.xlane v3, v0;
	_ =	sdelay $0x1  }
0x89: {  	v3 =	vadd.s32 v1, v3;
	_ =	sdelay $0x4  }
0x8a: {  	[tilespmem:s31], [sflag:$0x2] =	stream.indirect_vreg.gather [hbm4b:s2+s3], $0x80, v3, vm0, $0xb8;
	[tilespmem:$0x15A80] =	vst v63  }
0x8b: {  	_ = 	snop  }
0x8c: {  	[tilespmem:s1], [sflag:$0x2] =	stream.indirect_vreg.gather [hbm4b:s8+s3], $0x80, v3, vm0, $0xb8;
	[tilespmem:$0x15A80] =	vst v63  }
0x8d: {  	_ = 	snop  }
0x8e: {  	[tilespmem:s0], [sflag:$0x2] =	stream.indirect_vreg.gather [hbm4b:s9+s3], $0x80, v3, vm0, $0xb8;
	[tilespmem:$0x15A80] =	vst v63  }
0x8f: {  	_ = 	snop  }
0x90: {  	[tilespmem:s6], [sflag:$0x2] =	stream.indirect_vreg.gather [hbm4b:s10+s3], $0x80, v3, vm0, $0xb8;
	[tilespmem:$0x15A80] =	vst v63  }
0x91: {  	s14 =	rddreg [dreg:$0x3];
	s20 =	simm.s32 $0x80;
	s0 =	simm.s32 $0x14D00  }
0x92: {  	[tilespmem:s0], [sflag:$0x5] =	stream.indirect.gather [hbm4b:s14+s20], $0x1, s18, s20, $0xb8;
	[tilespmem:$0x15A80] =	vst v63  }
0x93: {  	s17 =	rddreg [dreg:$0x4];
	s1 =	simm.s32 $0x15380  }
0x94: {  	[tilespmem:s1], [sflag:$0x5] =	stream.indirect.gather [hbm4b:s17+s20], $0x1, s3, s20, $0xb8;
	[tilespmem:$0x15A80] =	vst v63  }
0x95: {  	s11 =	simm.s32 $0x14D80;
	s6 =	simm.s32 $0x700  }
0x96: {  	[tilespmem:s11], [sflag:$0x5] =	stream.indirect.gather [hbm4b:s14+s20], $0x1, s6, s20, $0xb8;
	[tilespmem:$0x15A80] =	vst v63  }
0x97: {  	s13 =	simm.s32 $0x15400  }
0x98: {  	[tilespmem:s13], [sflag:$0x5] =	stream.indirect.gather [hbm4b:s17+s20], $0x1, s20, s20, $0xb8;
	[tilespmem:$0x15A80] =	vst v63  }
0x99: {  	s16 =	simm.s32 $0x780;
	s22 =	simm.s32 $0x14E00  }
0x9a: {  	[tilespmem:s22], [sflag:$0x5] =	stream.indirect.gather [hbm4b:s14+s20], $0x1, s16, s20, $0xb8;
	[tilespmem:$0x15A80] =	vst v63  }
0x9b: {  	s23 =	simm.s32 $0x100;
	s24 =	simm.s32 $0x15480  }
0x9c: {  	[tilespmem:s24], [sflag:$0x5] =	stream.indirect.gather [hbm4b:s17+s20], $0x1, s23, s20, $0xb8;
	[tilespmem:$0x15A80] =	vst v63  }
0x9d: {  	s25 =	simm.s32 $0x800;
	s26 =	simm.s32 $0x14E80  }
0x9e: {  	[tilespmem:s26], [sflag:$0x5] =	stream.indirect.gather [hbm4b:s14+s20], $0x1, s25, s20, $0xb8;
	[tilespmem:$0x15A80] =	vst v63  }
0x9f: {  	s0 =	simm.s32 $0x180;
	s1 =	simm.s32 $0x15500  }
0xa0: {  	[tilespmem:s1], [sflag:$0x5] =	stream.indirect.gather [hbm4b:s17+s20], $0x1, s0, s20, $0xb8;
	[tilespmem:$0x15A80] =	vst v63  }
0xa1: {  	s6 =	simm.s32 $0x880;
	s11 =	simm.s32 $0x14F00  }
0xa2: {  	[tilespmem:s11], [sflag:$0x5] =	stream.indirect.gather [hbm4b:s14+s20], $0x1, s6, s20, $0xb8;
	[tilespmem:$0x15A80] =	vst v63  }
0xa3: {  	s28 =	simm.s32 $0x15580;
	s13 =	simm.s32 $0x200  }
0xa4: {  	[tilespmem:s28], [sflag:$0x5] =	stream.indirect.gather [hbm4b:s17+s20], $0x1, s13, s20, $0xb8;
	[tilespmem:$0x15A80] =	vst v63  }
0xa5: {  	s21 =	simm.s32 $0xE500;
	s29 =	simm.s32 $0x14F80;
	s16 =	simm.s32 $0x900  }
0xa6: {  	[tilespmem:s29], [sflag:$0x5] =	stream.indirect.gather [hbm4b:s14+s20], $0x1, s16, s20, $0xb8;
	[tilespmem:$0x15A80] =	vst v63  }
0xa7: {  	s30 =	simm.s32 $0x15600;
	s31 =	simm.s32 $0x15000;
	s22 =	simm.s32 $0x280  }
0xa8: {  	[tilespmem:s30], [sflag:$0x5] =	stream.indirect.gather [hbm4b:s17+s20], $0x1, s22, s20, $0xb8;
	[tilespmem:$0x15A80] =	vst v63  }
0xa9: {  	s18 =	simm.s32 $0x480;
	s23 =	simm.s32 $0xF500;
	s0 =	simm.s32 $0x980  }
0xaa: {  	[tilespmem:s31], [sflag:$0x5] =	stream.indirect.gather [hbm4b:s14+s20], $0x1, s0, s20, $0xb8;
	[tilespmem:$0x15A80] =	vst v63  }
0xab: {  	s24 =	simm.s32 $0xFD00;
	s1 =	simm.s32 $0x300;
	s6 =	simm.s32 $0x15680  }
0xac: {  	[tilespmem:s6], [sflag:$0x5] =	stream.indirect.gather [hbm4b:s17+s20], $0x1, s1, s20, $0xb8;
	[tilespmem:$0x15A80] =	vst v63  }
0xad: {  	s25 =	simm.s32 $0x10500;
	s11 =	simm.s32 $0xA00;
	s13 =	simm.s32 $0x15080  }
0xae: {  	[tilespmem:s13], [sflag:$0x5] =	stream.indirect.gather [hbm4b:s14+s20], $0x1, s11, s20, $0xb8;
	[tilespmem:$0x15A80] =	vst v63  }
0xaf: {  	s26 =	simm.s32 $0x10D00;
	s16 =	simm.s32 $0x380;
	s22 =	simm.s32 $0x15700  }
0xb0: {  	[tilespmem:s22], [sflag:$0x5] =	stream.indirect.gather [hbm4b:s17+s20], $0x1, s16, s20, $0xb8;
	[tilespmem:$0x15A80] =	vst v63  }
0xb1: {  	s28 =	simm.s32 $0x11500;
	s11 =	simm.s32 $0xA80;
	s13 =	simm.s32 $0x15100  }
0xb2: {  	[tilespmem:s13], [sflag:$0x5] =	stream.indirect.gather [hbm4b:s14+s20], $0x1, s11, s20, $0xb8;
	[tilespmem:$0x15A80] =	vst v63  }
0xb3: {  	s29 =	simm.s32 $0x11D00;
	s22 =	simm.s32 $0x400;
	s11 =	simm.s32 $0x15780  }
0xb4: {  	[tilespmem:s11], [sflag:$0x5] =	stream.indirect.gather [hbm4b:s17+s20], $0x1, s22, s20, $0xb8;
	[tilespmem:$0x15A80] =	vst v63  }
0xb5: {  	s30 =	simm.s32 $0x12500;
	s13 =	simm.s32 $0xB00;
	s22 =	simm.s32 $0x15180  }
0xb6: {  	[tilespmem:s22], [sflag:$0x5] =	stream.indirect.gather [hbm4b:s14+s20], $0x1, s13, s20, $0xb8;
	[tilespmem:$0x15A80] =	vst v63  }
0xb7: {  	s31 =	simm.s32 $0x12D00;
	s0 =	simm.s32 $0x13D00;
	s22 =	simm.s32 $0x15800  }
0xb8: {  	[tilespmem:s22], [sflag:$0x5] =	stream.indirect.gather [hbm4b:s17+s20], $0x1, s18, s20, $0xb8;
	[tilespmem:$0x15A80] =	vst v63  }
0xb9: {  	s1 =	simm.s32 $0x13500;
	s18 =	simm.s32 $0xB80;
	s22 =	simm.s32 $0x15200  }
0xba: {  	[tilespmem:s22], [sflag:$0x5] =	stream.indirect.gather [hbm4b:s14+s20], $0x1, s18, s20, $0xb8;
	[tilespmem:$0x15A80] =	vst v63  }
0xbb: {  	s6 =	simm.s32 $0x14500;
	s18 =	simm.s32 $0x500;
	s22 =	simm.s32 $0x15880  }
0xbc: {  	[tilespmem:s22], [sflag:$0x5] =	stream.indirect.gather [hbm4b:s17+s20], $0x1, s18, s20, $0xb8;
	[tilespmem:$0x15A80] =	vst v63  }
0xbd: {  	s16 =	simm.s32 $0xD00;
	s18 =	simm.s32 $0xC00;
	s22 =	simm.s32 $0x15280  }
0xbe: {  	[tilespmem:s22], [sflag:$0x5] =	stream.indirect.gather [hbm4b:s14+s20], $0x1, s18, s20, $0xb8;
	[tilespmem:$0x15A80] =	vst v63  }
0xbf: {  	s11 =	simm.s32 $0xAD00;
	s18 =	simm.s32 $0x580;
	s22 =	simm.s32 $0x15900  }
0xc0: {  	[tilespmem:s22], [sflag:$0x5] =	stream.indirect.gather [hbm4b:s17+s20], $0x1, s18, s20, $0xb8;
	[tilespmem:$0x15A80] =	vst v63  }
0xc1: {  	s13 =	simm.s32 $0x15300;
	s18 =	simm.s32 $0xC80;
	s22 =	simm.s32 $0x40  }
0xc2: {  	[tilespmem:s13], [sflag:$0x5] =	stream.indirect.gather [hbm4b:s14+s22], $0x1, s18, s22, $0xb8;
	[tilespmem:$0x15A80] =	vst v63  }
0xc3: {  	s13 =	simm.s32 $0x40;
	s14 =	simm.s32 $0x600;
	s22 =	simm.s32 $0x15980  }
0xc4: {  	[tilespmem:s22], [sflag:$0x5] =	stream.indirect.gather [hbm4b:s17+s13], $0x1, s14, s13, $0xb8;
	[tilespmem:$0x15A80] =	vst v63  }
0xc5: {  	s20 =	simm.s32 $0xDD00;
	s14 =	simm.s32 $0x98;
	s17 =	simm.s32 $0x0  }
.LBB2_2:
0xc6: {  	_ =	swait.ge [sflag:s15], $0xA000  }
0xc7: {  	p0 =	seq.s32 s17, $0x2F800;
	[sflag:s15] =	ssyncset.done $0x0;
	s13 =	rddreg [dreg:$0x9]  }
.Ltmp0:
0xc8: {  	[sflag:s15] =	ssyncadd.s32 $0xFFFF6000;
	s18 =	sadd.s32 s17, s13;
	(pc) =	sbr.rel @p0 .LBB2_4-.Ltmp0, $4  }
0xc9: {  	[hbm4b:s18+s3] =	stream.linear.scatter [tilespmem:s16], [sflag:$0x3], $0xA000, $0x38;
	[tilespmem:$0x15A80] =	vst v63  }
0xca: {  	_ =	swait.ge [sflag:s4], $0xA000  }
0xcb: {  	[sflag:s4] =	ssyncset.done $0x0  }
0xcc: {  	[sflag:s4] =	ssyncadd.s32 $0xFFFF6000  }
0xcd: {  	v3 =	vld [tilespmem:s14+$0xFFFFFFB8];
	_ =	sdelay $0x4  }
0xce: {  	v4 =	vshll.u32 v3, $0x3  }
0xcf: {  	v3 =	vand.u32 $0x7, v3;
	v4 =	vand.u32 $0xFFFFFFC0, v4  }
0xd0: {  	v3 =	vor.u32 v3, v4  }
0xd1: {  	v4 =	vperm.xlane v3, v0;
	_ =	sdelay $0x1  }
0xd2: {  	v4 =	vadd.s32 v1, v4;
	_ =	sdelay $0x4  }
0xd3: {  	[tilespmem:s16], [sflag:$0x1] =	stream.indirect_vreg.gather [hbm4b:s2+s3], $0x80, v4, vm0, $0xb8;
	[tilespmem:$0x15A80] =	vst v63  }
0xd4: {  	s19 =	simm.s32 $0x1500;
	v3 =	vperm.xlane v3, v2  }
0xd5: {  	[tilespmem:s19], [sflag:$0x1] =	stream.indirect_vreg.gather [hbm4b:s8+s3], $0x80, v4, vm0, $0xb8;
	[tilespmem:$0x15A80] =	vst v63  }
0xd6: {  	s13 =	simm.s32 $0x1D00;
	v3 =	vadd.s32 v1, v3  }
0xd7: {  	[tilespmem:s13], [sflag:$0x1] =	stream.indirect_vreg.gather [hbm4b:s9+s3], $0x80, v4, vm0, $0xb8;
	[tilespmem:$0x15A80] =	vst v63  }
0xd8: {  	s22 =	simm.s32 $0x2500  }
0xd9: {  	[tilespmem:s22], [sflag:$0x1] =	stream.indirect_vreg.gather [hbm4b:s10+s3], $0x80, v4, vm0, $0xb8;
	[tilespmem:$0x15A80] =	vst v63  }
0xda: {  	s13 =	simm.s32 $0x2D00  }
0xdb: {  	[tilespmem:s13], [sflag:$0x1] =	stream.indirect_vreg.gather [hbm4b:s2+s3], $0x80, v3, vm0, $0xb8;
	[tilespmem:$0x15A80] =	vst v63  }
0xdc: {  	s22 =	simm.s32 $0x3500  }
0xdd: {  	[tilespmem:s22], [sflag:$0x1] =	stream.indirect_vreg.gather [hbm4b:s8+s3], $0x80, v3, vm0, $0xb8;
	[tilespmem:$0x15A80] =	vst v63  }
0xde: {  	s13 =	simm.s32 $0x3D00  }
0xdf: {  	[tilespmem:s13], [sflag:$0x1] =	stream.indirect_vreg.gather [hbm4b:s9+s3], $0x80, v3, vm0, $0xb8;
	[tilespmem:$0x15A80] =	vst v63  }
0xe0: {  	s22 =	simm.s32 $0x4500  }
0xe1: {  	[tilespmem:s22], [sflag:$0x1] =	stream.indirect_vreg.gather [hbm4b:s10+s3], $0x80, v3, vm0, $0xb8;
	[tilespmem:$0x15A80] =	vst v63  }
0xe2: {  	v3 =	vld [tilespmem:s14+$0xFFFFFFC8];
	_ =	sdelay $0x4  }
0xe3: {  	v62 =	vshll.u32 v3, $0x3  }
0xe4: {  	v3 =	vand.u32 $0x7, v3;
	v4 =	vand.u32 $0xFFFFFFC0, v62  }
0xe5: {  	v3 =	vor.u32 v3, v4  }
0xe6: {  	v4 =	vperm.xlane v3, v0;
	_ =	sdelay $0x1  }
0xe7: {  	v4 =	vadd.s32 v1, v4;
	_ =	sdelay $0x3  }
0xe8: {  	s13 =	simm.s32 $0x4D00  }
0xe9: {  	[tilespmem:s13], [sflag:$0x1] =	stream.indirect_vreg.gather [hbm4b:s2+s3], $0x80, v4, vm0, $0xb8;
	[tilespmem:$0x15A80] =	vst v63  }
0xea: {  	s22 =	simm.s32 $0x5500;
	v3 =	vperm.xlane v3, v2  }
0xeb: {  	[tilespmem:s22], [sflag:$0x1] =	stream.indirect_vreg.gather [hbm4b:s8+s3], $0x80, v4, vm0, $0xb8;
	[tilespmem:$0x15A80] =	vst v63  }
0xec: {  	v3 =	vadd.s32 v1, v3;
	s13 =	simm.s32 $0x5D00  }
0xed: {  	[tilespmem:s13], [sflag:$0x1] =	stream.indirect_vreg.gather [hbm4b:s9+s3], $0x80, v4, vm0, $0xb8;
	[tilespmem:$0x15A80] =	vst v63  }
0xee: {  	s22 =	simm.s32 $0x6500  }
0xef: {  	[tilespmem:s22], [sflag:$0x1] =	stream.indirect_vreg.gather [hbm4b:s10+s3], $0x80, v4, vm0, $0xb8;
	[tilespmem:$0x15A80] =	vst v63  }
0xf0: {  	s13 =	simm.s32 $0x6D00  }
0xf1: {  	[tilespmem:s13], [sflag:$0x1] =	stream.indirect_vreg.gather [hbm4b:s2+s3], $0x80, v3, vm0, $0xb8;
	[tilespmem:$0x15A80] =	vst v63  }
0xf2: {  	s22 =	simm.s32 $0x7500  }
0xf3: {  	[tilespmem:s22], [sflag:$0x1] =	stream.indirect_vreg.gather [hbm4b:s8+s3], $0x80, v3, vm0, $0xb8;
	[tilespmem:$0x15A80] =	vst v63  }
0xf4: {  	s13 =	simm.s32 $0x7D00  }
0xf5: {  	[tilespmem:s13], [sflag:$0x1] =	stream.indirect_vreg.gather [hbm4b:s9+s3], $0x80, v3, vm0, $0xb8;
	[tilespmem:$0x15A80] =	vst v63  }
0xf6: {  	s22 =	simm.s32 $0x8500  }
0xf7: {  	[tilespmem:s22], [sflag:$0x1] =	stream.indirect_vreg.gather [hbm4b:s10+s3], $0x80, v3, vm0, $0xb8;
	[tilespmem:$0x15A80] =	vst v63  }
0xf8: {  	v3 =	vld.msk [tilespmem:s14+$0xFFFFFFD8], $0xff;
	_ =	sdelay $0x4  }
0xf9: {  	v63 =	vshll.u32 v3, $0x3  }
0xfa: {  	v3 =	vand.u32 $0x7, v3;
	v4 =	vand.u32 $0xFFFFFFC0, v63  }
0xfb: {  	v3 =	vor.u32 v3, v4  }
0xfc: {  	v3 =	vperm.xlane v3, v0;
	_ =	sdelay $0x1  }
0xfd: {  	v3 =	vadd.s32 v1, v3;
	_ =	sdelay $0x3  }
0xfe: {  	s13 =	simm.s32 $0x8D00  }
0xff: {  	[tilespmem:s13], [sflag:$0x1] =	stream.indirect_vreg.gather [hbm4b:s2+s3], $0x80, v3, vm0, $0xb8;
	[tilespmem:$0x15A80] =	vst v63  }
0x100: {  	s22 =	simm.s32 $0x9500  }
0x101: {  	[tilespmem:s22], [sflag:$0x1] =	stream.indirect_vreg.gather [hbm4b:s8+s3], $0x80, v3, vm0, $0xb8;
	[tilespmem:$0x15A80] =	vst v63  }
0x102: {  	s13 =	simm.s32 $0x9D00  }
0x103: {  	[tilespmem:s13], [sflag:$0x1] =	stream.indirect_vreg.gather [hbm4b:s9+s3], $0x80, v3, vm0, $0xb8;
	[tilespmem:$0x15A80] =	vst v63  }
0x104: {  	s19 =	simm.s32 $0xB500;
	s22 =	simm.s32 $0xA500  }
0x105: {  	[tilespmem:s22], [sflag:$0x1] =	stream.indirect_vreg.gather [hbm4b:s10+s3], $0x80, v3, vm0, $0xb8;
	[tilespmem:$0x15A80] =	vst v63  }
.LBB2_4:
0x106: {  	_ =	swait.ge [sflag:s5], $0xA000  }
0x107: {  	[sflag:s5] =	ssyncset.done $0x0  }
.Ltmp1:
0x108: {  	s18 =	sadd.s32 $0x1400, s18;
	[sflag:s5] =	ssyncadd.s32 $0xFFFF6000;
	(pc) =	sbr.rel @p0 .LBB2_6-.Ltmp1, $4  }
0x109: {  	[hbm4b:s18+s3] =	stream.linear.scatter [tilespmem:s11], [sflag:$0x4], $0xA000, $0x38;
	[tilespmem:$0x15A80] =	vst v63  }
0x10a: {  	_ =	swait.ge [sflag:s7], $0xA000  }
0x10b: {  	[sflag:s7] =	ssyncset.done $0x0  }
0x10c: {  	[sflag:s7] =	ssyncadd.s32 $0xFFFF6000  }
0x10d: {  	v3 =	vld [tilespmem:s14+$0xFFFFFFE0];
	_ =	sdelay $0x4  }
0x10e: {  	v4 =	vshll.u32 v3, $0x3  }
0x10f: {  	v3 =	vand.u32 $0x7, v3;
	v4 =	vand.u32 $0xFFFFFFC0, v4  }
0x110: {  	v3 =	vor.u32 v3, v4  }
0x111: {  	v4 =	vperm.xlane v3, v0;
	_ =	sdelay $0x1  }
0x112: {  	v4 =	vadd.s32 v1, v4;
	_ =	sdelay $0x4  }
0x113: {  	[tilespmem:s11], [sflag:$0x2] =	stream.indirect_vreg.gather [hbm4b:s2+s3], $0x80, v4, vm0, $0xb8;
	[tilespmem:$0x15A80] =	vst v63  }
0x114: {  	v3 =	vperm.xlane v3, v2  }
0x115: {  	[tilespmem:s19], [sflag:$0x2] =	stream.indirect_vreg.gather [hbm4b:s8+s3], $0x80, v4, vm0, $0xb8;
	[tilespmem:$0x15A80] =	vst v63  }
0x116: {  	s18 =	simm.s32 $0xBD00;
	v3 =	vadd.s32 v1, v3  }
0x117: {  	[tilespmem:s18], [sflag:$0x2] =	stream.indirect_vreg.gather [hbm4b:s9+s3], $0x80, v4, vm0, $0xb8;
	[tilespmem:$0x15A80] =	vst v63  }
0x118: {  	s22 =	simm.s32 $0xC500  }
0x119: {  	[tilespmem:s22], [sflag:$0x2] =	stream.indirect_vreg.gather [hbm4b:s10+s3], $0x80, v4, vm0, $0xb8;
	[tilespmem:$0x15A80] =	vst v63  }
0x11a: {  	s13 =	simm.s32 $0xCD00  }
0x11b: {  	[tilespmem:s13], [sflag:$0x2] =	stream.indirect_vreg.gather [hbm4b:s2+s3], $0x80, v3, vm0, $0xb8;
	[tilespmem:$0x15A80] =	vst v63  }
0x11c: {  	s22 =	simm.s32 $0xD500  }
0x11d: {  	[tilespmem:s22], [sflag:$0x2] =	stream.indirect_vreg.gather [hbm4b:s8+s3], $0x80, v3, vm0, $0xb8;
	[tilespmem:$0x15A80] =	vst v63  }
0x11e: {  	_ = 	snop  }
0x11f: {  	[tilespmem:s20], [sflag:$0x2] =	stream.indirect_vreg.gather [hbm4b:s9+s3], $0x80, v3, vm0, $0xb8;
	[tilespmem:$0x15A80] =	vst v63  }
0x120: {  	_ = 	snop  }
0x121: {  	[tilespmem:s21], [sflag:$0x2] =	stream.indirect_vreg.gather [hbm4b:s10+s3], $0x80, v3, vm0, $0xb8;
	[tilespmem:$0x15A80] =	vst v63  }
0x122: {  	v3 =	vld [tilespmem:s14+$0xFFFFFFF0];
	_ =	sdelay $0x4  }
0x123: {  	v62 =	vshll.u32 v3, $0x3  }
0x124: {  	v3 =	vand.u32 $0x7, v3;
	v4 =	vand.u32 $0xFFFFFFC0, v62  }
0x125: {  	v3 =	vor.u32 v3, v4  }
0x126: {  	v4 =	vperm.xlane v3, v0;
	_ =	sdelay $0x1  }
0x127: {  	v4 =	vadd.s32 v1, v4;
	_ =	sdelay $0x3  }
0x128: {  	s13 =	simm.s32 $0xED00  }
0x129: {  	[tilespmem:s13], [sflag:$0x2] =	stream.indirect_vreg.gather [hbm4b:s2+s3], $0x80, v4, vm0, $0xb8;
	[tilespmem:$0x15A80] =	vst v63  }
0x12a: {  	v3 =	vperm.xlane v3, v2  }
0x12b: {  	[tilespmem:s23], [sflag:$0x2] =	stream.indirect_vreg.gather [hbm4b:s8+s3], $0x80, v4, vm0, $0xb8;
	[tilespmem:$0x15A80] =	vst v63  }
0x12c: {  	v3 =	vadd.s32 v1, v3  }
0x12d: {  	[tilespmem:s24], [sflag:$0x2] =	stream.indirect_vreg.gather [hbm4b:s9+s3], $0x80, v4, vm0, $0xb8;
	[tilespmem:$0x15A80] =	vst v63  }
0x12e: {  	_ = 	snop  }
0x12f: {  	[tilespmem:s25], [sflag:$0x2] =	stream.indirect_vreg.gather [hbm4b:s10+s3], $0x80, v4, vm0, $0xb8;
	[tilespmem:$0x15A80] =	vst v63  }
0x130: {  	_ = 	snop  }
0x131: {  	[tilespmem:s26], [sflag:$0x2] =	stream.indirect_vreg.gather [hbm4b:s2+s3], $0x80, v3, vm0, $0xb8;
	[tilespmem:$0x15A80] =	vst v63  }
0x132: {  	_ = 	snop  }
0x133: {  	[tilespmem:s28], [sflag:$0x2] =	stream.indirect_vreg.gather [hbm4b:s8+s3], $0x80, v3, vm0, $0xb8;
	[tilespmem:$0x15A80] =	vst v63  }
0x134: {  	_ = 	snop  }
0x135: {  	[tilespmem:s29], [sflag:$0x2] =	stream.indirect_vreg.gather [hbm4b:s9+s3], $0x80, v3, vm0, $0xb8;
	[tilespmem:$0x15A80] =	vst v63  }
0x136: {  	_ = 	snop  }
0x137: {  	[tilespmem:s30], [sflag:$0x2] =	stream.indirect_vreg.gather [hbm4b:s10+s3], $0x80, v3, vm0, $0xb8;
	[tilespmem:$0x15A80] =	vst v63  }
0x138: {  	v3 =	vld.msk [tilespmem:s14+$0x0], $0xff;
	_ =	sdelay $0x4  }
0x139: {  	v63 =	vshll.u32 v3, $0x3  }
0x13a: {  	v3 =	vand.u32 $0x7, v3;
	v4 =	vand.u32 $0xFFFFFFC0, v63  }
0x13b: {  	v3 =	vor.u32 v3, v4  }
0x13c: {  	v3 =	vperm.xlane v3, v0;
	_ =	sdelay $0x1  }
0x13d: {  	v3 =	vadd.s32 v1, v3;
	_ =	sdelay $0x4  }
0x13e: {  	[tilespmem:s31], [sflag:$0x2] =	stream.indirect_vreg.gather [hbm4b:s2+s3], $0x80, v3, vm0, $0xb8;
	[tilespmem:$0x15A80] =	vst v63  }
0x13f: {  	_ = 	snop  }
0x140: {  	[tilespmem:s1], [sflag:$0x2] =	stream.indirect_vreg.gather [hbm4b:s8+s3], $0x80, v3, vm0, $0xb8;
	[tilespmem:$0x15A80] =	vst v63  }
.Ltmp2:
0x141: {  	_ = 	snop;
	(pc) =	sbr.rel .LBB2_2-.Ltmp2, $4  }
0x142: {  	_ = 	snop  }
0x143: {  	[tilespmem:s0], [sflag:$0x2] =	stream.indirect_vreg.gather [hbm4b:s9+s3], $0x80, v3, vm0, $0xb8;
	[tilespmem:$0x15A80] =	vst v63  }
0x144: {  	s17 =	sadd.s32 $0x2800, s17;
	s14 =	sadd.s32 $0x50, s14  }
0x145: {  	[tilespmem:s6], [sflag:$0x2] =	stream.indirect_vreg.gather [hbm4b:s10+s3], $0x80, v3, vm0, $0xb8;
	[tilespmem:$0x15A80] =	vst v63  }
.LBB2_6:
0x146: {  	_ =	swait.ge [sflag:s12], $0x80  }
0x147: {  	[sflag:s12] =	ssyncset.done $0x0  }
0x148: {  	[sflag:s12] =	ssyncadd.s32 $0xFFFFFF80  }
0x149: {  	_ =	swait.ge [sflag:s12], $0x80  }
0x14a: {  	[sflag:s12] =	ssyncset.done $0x0  }
0x14b: {  	[sflag:s12] =	ssyncadd.s32 $0xFFFFFF80  }
0x14c: {  	_ =	swait.ge [sflag:s12], $0x80  }
0x14d: {  	[sflag:s12] =	ssyncset.done $0x0  }
0x14e: {  	[sflag:s12] =	ssyncadd.s32 $0xFFFFFF80  }
0x14f: {  	_ =	swait.ge [sflag:s12], $0x80  }
0x150: {  	[sflag:s12] =	ssyncset.done $0x0  }
0x151: {  	[sflag:s12] =	ssyncadd.s32 $0xFFFFFF80  }
0x152: {  	_ =	swait.ge [sflag:s12], $0x80  }
0x153: {  	[sflag:s12] =	ssyncset.done $0x0  }
0x154: {  	[sflag:s12] =	ssyncadd.s32 $0xFFFFFF80  }
0x155: {  	_ =	swait.ge [sflag:s12], $0x80  }
0x156: {  	[sflag:s12] =	ssyncset.done $0x0  }
0x157: {  	[sflag:s12] =	ssyncadd.s32 $0xFFFFFF80  }
0x158: {  	_ =	swait.ge [sflag:s12], $0x80  }
0x159: {  	[sflag:s12] =	ssyncset.done $0x0  }
0x15a: {  	[sflag:s12] =	ssyncadd.s32 $0xFFFFFF80  }
0x15b: {  	_ =	swait.ge [sflag:s12], $0x80  }
0x15c: {  	[sflag:s12] =	ssyncset.done $0x0  }
0x15d: {  	[sflag:s12] =	ssyncadd.s32 $0xFFFFFF80  }
0x15e: {  	_ =	swait.ge [sflag:s12], $0x80  }
0x15f: {  	[sflag:s12] =	ssyncset.done $0x0  }
0x160: {  	[sflag:s12] =	ssyncadd.s32 $0xFFFFFF80  }
0x161: {  	_ =	swait.ge [sflag:s12], $0x80  }
0x162: {  	[sflag:s12] =	ssyncset.done $0x0  }
0x163: {  	[sflag:s12] =	ssyncadd.s32 $0xFFFFFF80  }
0x164: {  	_ =	swait.ge [sflag:s12], $0x80  }
0x165: {  	[sflag:s12] =	ssyncset.done $0x0  }
0x166: {  	[sflag:s12] =	ssyncadd.s32 $0xFFFFFF80  }
0x167: {  	_ =	swait.ge [sflag:s12], $0x80  }
0x168: {  	[sflag:s12] =	ssyncset.done $0x0  }
0x169: {  	[sflag:s12] =	ssyncadd.s32 $0xFFFFFF80  }
0x16a: {  	_ =	swait.ge [sflag:s12], $0x80  }
0x16b: {  	[sflag:s12] =	ssyncset.done $0x0  }
0x16c: {  	[sflag:s12] =	ssyncadd.s32 $0xFFFFFF80  }
0x16d: {  	_ =	swait.ge [sflag:s12], $0x80  }
0x16e: {  	[sflag:s12] =	ssyncset.done $0x0  }
0x16f: {  	[sflag:s12] =	ssyncadd.s32 $0xFFFFFF80  }
0x170: {  	_ =	swait.ge [sflag:s12], $0x80  }
0x171: {  	[sflag:s12] =	ssyncset.done $0x0  }
0x172: {  	[sflag:s12] =	ssyncadd.s32 $0xFFFFFF80  }
0x173: {  	_ =	swait.ge [sflag:s12], $0x80  }
0x174: {  	[sflag:s12] =	ssyncset.done $0x0  }
0x175: {  	[sflag:s12] =	ssyncadd.s32 $0xFFFFFF80  }
0x176: {  	_ =	swait.ge [sflag:s12], $0x80  }
0x177: {  	[sflag:s12] =	ssyncset.done $0x0  }
0x178: {  	[sflag:s12] =	ssyncadd.s32 $0xFFFFFF80  }
0x179: {  	_ =	swait.ge [sflag:s12], $0x80  }
0x17a: {  	[sflag:s12] =	ssyncset.done $0x0  }
0x17b: {  	[sflag:s12] =	ssyncadd.s32 $0xFFFFFF80  }
0x17c: {  	_ =	swait.ge [sflag:s12], $0x80  }
0x17d: {  	[sflag:s12] =	ssyncset.done $0x0  }
0x17e: {  	[sflag:s12] =	ssyncadd.s32 $0xFFFFFF80  }
0x17f: {  	_ =	swait.ge [sflag:s12], $0x80  }
0x180: {  	[sflag:s12] =	ssyncset.done $0x0  }
0x181: {  	[sflag:s12] =	ssyncadd.s32 $0xFFFFFF80  }
0x182: {  	_ =	swait.ge [sflag:s12], $0x80  }
0x183: {  	[sflag:s12] =	ssyncset.done $0x0  }
0x184: {  	[sflag:s12] =	ssyncadd.s32 $0xFFFFFF80  }
0x185: {  	_ =	swait.ge [sflag:s12], $0x80  }
0x186: {  	[sflag:s12] =	ssyncset.done $0x0  }
0x187: {  	[sflag:s12] =	ssyncadd.s32 $0xFFFFFF80  }
0x188: {  	_ =	swait.ge [sflag:s12], $0x80  }
0x189: {  	[sflag:s12] =	ssyncset.done $0x0  }
0x18a: {  	[sflag:s12] =	ssyncadd.s32 $0xFFFFFF80  }
0x18b: {  	_ =	swait.ge [sflag:s12], $0x80  }
0x18c: {  	[sflag:s12] =	ssyncset.done $0x0  }
0x18d: {  	[sflag:s12] =	ssyncadd.s32 $0xFFFFFF80  }
0x18e: {  	_ =	swait.ge [sflag:s12], $0x40  }
0x18f: {  	[sflag:s12] =	ssyncset.done $0x0  }
0x190: {  	[sflag:s12] =	ssyncadd.s32 $0xFFFFFFC0  }
0x191: {  	_ =	swait.ge [sflag:s12], $0x40  }
0x192: {  	[sflag:s12] =	ssyncset.done $0x0  }
0x193: {  	s17 =	simm.s32 $0x0;
	[sflag:s12] =	ssyncadd.s32 $0xFFFFFFC0  }
0x194: {  	v4 =	vld [tilespmem:s17+$0x15380]  }
0x195: {  	v3 =	vimm.f32 $0.0e+00;
	s14 =	simm.s32 $0x40;
	v5 =	vld [tilespmem:s17+$0x14D00]  }
.LBB2_7:
0x196: {  	_ = 	snop  }
0x197: {  	p0 =	sne.s32 s14, $0x18C0  }
.Ltmp3:
0x198: {  	_ = 	snop;
	(pc) =	sbr.rel @p0 .LBB2_7-.Ltmp3, $4  }
0x199: {  	_ = 	snop  }
0x19a: {  	s17 =	sshra.s32 s14, $0x2;
	v6 =	vsub.f32 v4, v5  }
0x19b: {  	v4 =	vld [tilespmem:s17+$0x15380]  }
0x19c: {  	s14 =	sadd.s32 $0x40, s14;
	v5 =	vld [tilespmem:s17+$0x14D00];
	v3 =	vadd.f32 v6, v3  }
0x19d: {  	_ =	sdelay $0x3  }
0x19e: {  	v4 =	vsub.f32 v4, v5;
	_ =	sdelay $0x1  }
0x19f: {  	v3 =	vadd.f32 v4, v3;
	_ =	sdelay $0x1  }
0x1a0: {  	v3 =	vmul.f32 $1.953124960e-05, v3;
	_ =	sdelay $0x1  }
0x1a1: {  	s14 =	rddreg [dreg:$0x7];
	s13 =	simm.s32 $0x15A00;
	s17 =	simm.s32 $0x6;
	[tilespmem:$0x15A00] =	vst v3  }
0x1a2: {  	[hbm4b:s14+s3] =	stream.linear.scatter [tilespmem:s13], [sflag:$0x6], $0x80, $0x38;
	[tilespmem:$0x15A80] =	vst v63  }
0x1a3: {  	_ =	swait.ge [sflag:s17], $0x80  }
0x1a4: {  	s18 =	rddreg [dreg:$0xa]  }
0x1a5: {  	s22 =	rddreg [dreg:$0x8];
	s13 =	sadd.s32 $0x1, s18  }
0x1a6: {  	p0 =	sne.s32 s13, s22  }
.Ltmp4:
0x1a7: {  	_ = 	snop;
	(pc) =	sbr.rel @p0 .LBB2_1-.Ltmp4, $3  }
0x1a8: {  	_ =	sdelay $0x1  }
0x1a9: {  	[sflag:s17] =	ssyncset.done $0x0  }
0x1aa: {  	[sflag:s17] =	ssyncadd.s32 $0xFFFFFF80  }
0x1ab: {  	_ =	sfence.sel $0x180000  }
0x1ac: {  	[bflag:$0x0] =	sbarrier.arrive $0xFFFF  }
0x1ad: {  	_ =	strace $0x90000047  }
0x1ae: {  	s0 =	stileid.u32;
	[bflag:$0x2] =	sbarrier.arrive $0xFFFF  }
0x1af: {  	p0 =	sne.s32 s0, $0x0;
	s0 =	rddreg [dreg:$0x2]  }
0x1b0: {  	s0 =	sadd.s32 @!p0 $0x100000, s0  }
0x1b1: {  	[sflag:s0] =	ssyncadd.tile.s32 @!p0 $0x1;
	_ =	shalt  }
.Lfunc_end2:
_tile_overlayer_lowered:
.L_overlay_start_2:
0x1b2: {  	(tag) =	ssettag $0x2  }
0x1b3: {  	s0 =	rddreg [dreg:$0x0];
	s2 =	stileid.u32  }
0x1b4: {  	s1 =	rddreg [dreg:$0x1];
	p0 =	sne.s32 s2, $0x0  }
0x1b5: {  	s3 =	rddreg [dreg:$0x2];
	[bflag:$0x3] =	sbarrier.arrive $0xFFFF;
	s2 =	simm.s32 @!p0 $0x1C06  }
0x1b6: {  	[timem:s3], [sflag:s2] =	dma.local @!p0 [hbm:s0], s1  }
0x1b7: {  	s0 =	simm.s32 @!p0 $0x6  }
0x1b8: {  	_ =	swait.ge @!p0 [sflag:s0], s1  }
0x1b9: {  	s1 =	ssub.s32 @!p0 $0x0, s1;
	[sflag:s0] =	ssyncset.done @!p0 $0x0  }
0x1ba: {  	[sflag:s0] =	ssyncadd.s32 @!p0 s1  }
0x1bb: {  	[bflag:$0x3] =	sbarrier.arrive $0xFFFF  }
0x1bc: {  	_ =	shalt  }

// kernel: sparse-core-data-format-call.cloned.1.call-start
scs
called_computation_lowered:
.L_overlay_start_0:
0x0: {  	s2 =	sld [smem:$0x3FD9]  }
0x1: {  	s3 =	sld [smem:$0x3FFE];
	_ =	sdelay $0x1  }
0x2: {  	s1 =	srdreg.scid  }
0x3: {  	s0 =	sand.u32 $0x1, s1  }
0x4: {  	s15 =	sshll.u32 s0, $0xA;
	s2 =	sadd.s32 s3, s2  }
0x5: {  	s2 =	sadd.s32 s2, s15  }
0x6: {  	[smem:$0x3FC5] =	sst s2  }
0x7: {  	_ = 	snop  }
0x8: {  	s2 =	sld [smem:$0x3FD0];
	_ =	sdelay $0x2  }
0x9: {  	s16 =	simm.s32 $0xA;
	s4 =	simm.s32 $0x10  }
0xa: {  	[smem:s4], [sflag:s16] =	dma.local [hbm:s2], $0x1  }
0xb: {  	_ =	swait.eq [sflag:s16], $0x1  }
0xc: {  	[sflag:s16] =	ssyncset.done $0x0  }
0xd: {  	[sflag:s16] =	ssyncadd.s32 $0xFFFFFFFF  }
0xe: {  	s17 =	sld [smem:$0x10];
	(tm) =	ssettm $0x1  }
0xf: {  	s18 =	sld [smem:$0x3FFB];
	_ =	sdelay $0x3  }
0x10: {  	_ =	strace s18  }
0x11: {  	s3 =	sld [smem:$0x3FFC];
	_ =	sdelay $0x3  }
0x12: {  	_ =	strace s3  }
0x13: {  	s3 =	sld [smem:$0x3FFD];
	_ =	sdelay $0x3  }
0x14: {  	_ =	strace s3  }
0x15: {  	_ =	strace $0x8FFFFFFF  }
0x16: {  	s19 =	sld [smem:$0x3FDB];
	_ =	sdelay $0x1  }
0x17: {  	s20 =	simm.s32 $_scs_section_size  }
0x18: {  	s5 =	simm.s32 $_size__tile_overlayer_lowered;
	s6 =	simm.s32 $_tile_overlayer_lowered  }
0x19: {  	s23 =	simm.s32 $0x1BFF;
	s22 =	sshll.u32 s6, $0x1;
	s3 =	sadd.s32 s20, s19  }
0x1a: {  	s7 =	simm.s32 $0x0;
	s21 =	sshll.u32 s5, $0x1;
	s5 =	sadd.s32 s22, s3  }
0x1b: {  	[timem:s7], [sflag:s23] =	dma.local [hbm:s5], s21  }
0x1c: {  	_ =	swait.ge [sflag:s23], s21  }
0x1d: {  	s4 =	ssub.s32 $0x0, s21;
	[sflag:s23] =	ssyncset.done $0x0  }
0x1e: {  	[sflag:s23] =	ssyncadd.s32 s4;
	_ =	sdelay $0x1  }
0x1f: {  	s24 =	simm.s32 $0x1B8B  }
0x20: {  	_ =	swait.ge [sflag:s24], $0x1  }
0x21: {  	[sflag:s24] =	ssyncset.done $0x0  }
0x22: {  	s26 =	simm.s32 $0x1B8E;
	s25 =	sld [smem:$0x3FFE];
	[sflag:s24] =	ssyncadd.s32 $0xFFFFFFFF  }
0x23: {  	s27 =	simm.s32 $execute0_lowered;
	[smem:$0x3FD2] =	sst s26  }
0x24: {  	s5 =	sshll.u32 s27, $0x1;
	_ =	strace $0x80000049;
	[dreg:$0x1] =	wrdreg $0xFFFFFFFF  }
0x25: {  	s28 =	simm.s32 $_size_execute0_lowered;
	s3 =	sadd.s32 s3, s5;
	[dreg:$0x0] =	wrdreg $0x0  }
0x26: {  	s5 =	sshll.u32 s28, $0x1;
	[dreg:$0x2] =	wrdreg s3  }
0x27: {  	[dreg:$0x3] =	wrdreg s5  }
0x28: {  	[dreg:$0x4] =	wrdreg $0xC0  }
0x29: {  	_ =	task [dreg:s7], $0x5FFFF  }
0x2a: {  	[dreg:$0x1] =	wrdreg $0xFFFFFFFF  }
0x2b: {  	[dreg:$0x0] =	wrdreg $0x60  }
0x2c: {  	[dreg:$0x2] =	wrdreg s25  }
0x2d: {  	[dreg:$0x3] =	wrdreg s17  }
0x2e: {  	[dreg:$0x4] =	wrdreg $0x9  }
0x2f: {  	_ =	task.clear_ibuf [dreg:s7], $0x5FFFF;
	_ =	strace $0x90000049  }
0x30: {  	s29 =	simm.s32 $0x9;
	_ =	strace $0x8000004B  }
0x31: {  	_ =	swait.ge [sflag:s29], $0x1  }
0x32: {  	[sflag:s29] =	ssyncadd.s32 $0xFFFFFFFF  }
0x33: {  	_ =	strace $0x9000004B  }
0x34: {  	_ =	sfence  }
0x35: {  	s30 =	sld [smem:$0x0];
	_ =	sdelay $0x2  }
0x36: {  	s31 =	sshll.u32 s1, $0xD;
	s1 =	sshrl.u32 s1, $0x2  }
0x37: {  	s3 =	sand.u32 $0x4000, s31;
	s1 =	sadd.s32 s1, s30  }
0x38: {  	s0 =	sor.u32 s3, s0;
	s1 =	sshll.u32 s1, $0x11  }
0x39: {  	s0 =	sor.u32 s1, s0  }
0x3a: {  	s0 =	sadd.s32 $0x8F2B, s0  }
0x3b: {  	[sflag:s0] =	ssyncadd.remote.s32 $0x1  }
0x3c: {  	_ =	sfence.sel $0xFFFF  }
0x3d: {  	[dreg:$0x0] =	wrdreg $0xFFFFFFFF;
	(pc) =	sbr.abs _section_cstart, $3  }
0x3e: {  	[dreg:$0x1] =	wrdreg $0xFFFFFFFF  }
0x3f: {  	_ =	task.clear_ibuf [dreg:s7], $0x2FFFF;
	_ =	strace $0x9FFFFFFF  }
0x40: {  	(tm) =	ssettm $0x7FFFFFFF  }
0x41: {  	_ =	shalt  }
tec
execute0_lowered:
.L_overlay_start_1:
0x0: {  	(tag) =	ssettag $0x1  }
0x1: {  	s4 =	rddreg [dreg:$0x0]  }
0x2: {  	s2 =	rddreg [dreg:$0x1];
	s1 =	stileid.u32  }
0x3: {  	s3 =	srdreg.scid;
	s0 =	rddreg [dreg:$0x2];
	_ =	strace $0x8000004A  }
0x4: {  	s10 =	simm.s32 $0x2;
	s14 =	simm.s32 $0x0;
	s16 =	simm.s32 $0x0  }
0x5: {  	s12 =	simm.s32 $0x0;
	s15 =	simm.s32 $0x0;
	s3 =	sshll.u32 s3, $0x4  }
0x6: {  	s5 =	sshll.u32 s1, $0x7;
	s4 =	sadd.s32 $0x22E00, s4;
	s6 =	sand.u32 $0x10, s3  }
0x7: {  	s3 =	sand.u32 $0x180, s5;
	s5 =	simm.s32 $0x1;
	s8 =	sor.u32 s1, s6  }
0x8: {  	s31 =	ssub.s32 $0xC800, s3;
	[sflag:s5] =	ssyncpa.u1 $0x0;
	s13 =	smov.u32 s3  }
.Ltmp0:
0x9: {  	s7 =	sshll.u32 s8, $0x5;
	s9 =	sand.u32 $0x180, s31;
	(pc) =	sbr.rel .LBB1_1-.Ltmp0, $4  }
0xa: {  	s11 =	sshrl.u32 s31, $0x9;
	p0 =	sne.s32 s9, $0x0;
	s9 =	simm.s32 $0x1  }
0xb: {  	[sflag:s10] =	ssyncpa.u1 $0x0;
	s8 =	sshll.u32 s8, $0x8;
	s9 =	simm.s32 @!p0 $0x0  }
0xc: {  	s10 =	simm.s32 $0x64000;
	s6 =	sand.u32 $0x380, s7;
	s7 =	sadd.s32 s9, s11  }
0xd: {  	p0 =	por $0x0, $0x0;
	s11 =	simm.s32 $0x0;
	s9 =	sadd.s32 $0x1, s7  }
.LBB1_4:
0xe: {  	s22 =	sshrl.u32 s11, $0x3  }
0xf: {  	s23 =	sshll.u32 s12, $0x3;
	s24 =	sand.u32 $0x7F, s12;
	s22 =	smul.u32 $0x64000, s22  }
0x10: {  	v5 =	vld [tilespmem:s18+$0xFFFFFFD0];
	s21 =	sshra.s32 s21, $0x2;
	s25 =	sshra.s32 s12, $0x1F;
	s23 =	sand.u32 $0xFFFFFC00, s23  }
0x11: {  	[tilespmem:s20+$0x2040 ss:$0x81] =	vst.msk $0xffff, v4;
	v58 =	vld [tilespmem:s18+$0xFFFFFFE0];
	p1 =	sgt.s32 s12, $0xC780;
	s25 =	sand.u32 s25, s12;
	s22 =	sadd.s32 s23, s22  }
0x12: {  	[tilespmem:s20+$0x2850 ss:$0x81] =	vst.msk $0xffff, v3;
	v59 =	vld [tilespmem:s18+$0xFFFFFFF0];
	s23 =	sor.u32 s24, s22;
	s22 =	smulhi.u32 $0x51EB851F, s22;
	s24 =	smov.u32 s12  }
0x13: {  	[tilespmem:s20+$0x3060 ss:$0x81] =	vst.msk $0xffff, v2;
	v60 =	vld [tilespmem:s18+$0x0];
	s19 =	sadd.s32 s21, s19;
	s26 =	smulhi.u32 $0x51EB851F, s23;
	s24 =	simm.s32 @!p1 $0xC780  }
0x14: {  	[tilespmem:s20+$0x0 ss:$0x81] =	vst.msk $0xffff, v0;
	v61 =	vld [tilespmem:s18+$0x10];
	p1 =	sgt.s32 s11, $0x368;
	s28 =	sshrl.u32 s22, $0xE;
	s29 =	ssub.s32 s24, s25  }
0x15: {  	[tilespmem:s19+$0x3870 ss:$0x81] =	vst.msk $0xffff, v1;
	s30 =	sshrl.u32 s26, $0xE;
	s31 =	smulhi.u32 $0x418938, s28;
	s25 =	sadd.s32 $0xFFFF3880, s29  }
0x16: {  	v62 =	vld [tilespmem:s18+$0x20];
	[tilespmem:s19+$0x810 ss:$0x81] =	vst.msk $0xffff, v5;
	s22 =	smul.u32 $0xC800, s30;
	p2 =	sgt.s32 s25, $0x7F;
	s25 =	smov.u32 s11  }
0x17: {  	v63 =	vld [tilespmem:s18+$0xFFFFFFC0];
	[tilespmem:s19+$0x1020 ss:$0x81] =	vst.msk $0xffff, v58;
	s21 =	ssub.s32 $0xC800, s29;
	s25 =	simm.s32 @!p1 $0x368;
	s26 =	smul.u32 $0x3E8, s31  }
0x18: {  	[tilespmem:s19+$0x1830 ss:$0x81] =	vst.msk $0xffff, v59;
	s21 =	simm.s32 @p2 $0x0;
	s27 =	ssub.s32 $0x3E8, s25  }
0x19: {  	[tilespmem:s19+$0x2040 ss:$0x81] =	vst.msk $0xffff, v60;
	s22 =	ssub.s32 s23, s22;
	s18 =	ssub.s32 s28, s26;
	s28 =	smul.u32 s27, s21  }
0x1a: {  	[tilespmem:s19+$0x2850 ss:$0x81] =	vst.msk $0xffff, v61;
	s29 =	sshrl.u32 s22, $0x3;
	s22 =	sand.u32 $0x7, s22;
	s18 =	smul.u32 $0x1900, s18  }
0x1b: {  	[tilespmem:s19+$0x3060 ss:$0x81] =	vst.msk $0xffff, v62;
	s21 =	sadd.s32 s2, s29;
	s22 =	sshll.u32 s22, $0x12  }
0x1c: {  	[tilespmem:s19+$0x0 ss:$0x81] =	vst.msk $0xffff, v63;
	s30 =	sand.u32 $0x3FFFFFF8, s28;
	s31 =	sor.u32 $0x400, s22;
	s18 =	sadd.s32 s18, s21  }
0x1d: {  	[hbm4b:s18+s31] =	stream.strided.scatter [tilespmem:s17], [sflag:$0x2], s30, s10, s31, $0x20;
	[tilespmem:$0x10100] =	vst v63  }
.LBB1_5:
0x1e: {  	p1 =	slt.u32 s15, $0x2  }
0x1f: {  	p2 =	sgt.s32 @!p1 s16, $0xC780  }
0x20: {  	s17 =	smov.u32 s16;
	s18 =	sshra.s32 @!p1 s16, $0x1F;
	p2 =	por !p2, p1  }
0x21: {  	s16 =	sand.u32 @!p1 s18, s16;
	s17 =	simm.s32 @p2 $0xC780  }
0x22: {  	s16 =	ssub.s32 @!p1 s17, s16  }
0x23: {  	p2 =	sgt.s32 @!p1 s14, $0x368;
	s17 =	sadd.s32 @!p1 $0xFFFF3880, s16  }
0x24: {  	s18 =	sadd.s32 $0x200, s13;
	p2 =	por !p2, p1;
	p3 =	sgt.s32 @!p1 s17, $0x7F  }
0x25: {  	s14 =	simm.s32 @p2 $0x368;
	s16 =	ssub.s32 @!p1 $0xC800, s16;
	p2 =	por !p3, p1  }
0x26: {  	s14 =	ssub.s32 @!p1 $0x3E8, s14;
	s16 =	simm.s32 @!p2 $0x0;
	p2 =	sgt.s32 s18, $0xC7FF  }
0x27: {  	s14 =	smul.u32 @!p1 s14, s16;
	s18 =	smov.u32 @p2 s3;
	p2 =	sne.s32 s15, s9  }
.Ltmp1:
0x28: {  	s20 =	sadd.s32 $0x1, s15;
	p0 =	por !p0, !p0;
	(pc) =	sbr.rel @!p2 .LBB1_6-.Ltmp1, $4  }
0x29: {  	s17 =	simm.s32 @!p1 $0x2;
	s16 =	smov.u32 s12;
	s14 =	sand.u32 @!p1 $0x3FFFFFFF, s14  }
0x2a: {  	s12 =	smov.u32 s13;
	s15 =	smov.u32 s20;
	_ =	swait.ge @!p1 [sflag:s17], s14  }
0x2b: {  	s13 =	smov.u32 s18;
	s19 =	ssub.s32 @!p1 $0x0, s14;
	[sflag:s17] =	ssyncset.done @!p1 $0x0  }
0x2c: {  	s14 =	smov.u32 s11;
	s11 =	smov.u32 s6;
	[sflag:s17] =	ssyncadd.s32 @!p1 s19  }
.LBB1_1:
0x2d: {  	p1 =	sge.u32 s15, s7  }
0x2e: {  	s17 =	sshll.u32 @!p1 s13, $0xA  }
0x2f: {  	s17 =	sand.u32 @!p1 $0xFFFFE000, s17  }
0x30: {  	s17 =	sor.u32 @!p1 s8, s17  }
0x31: {  	s17 =	sshrl.u32 @!p1 s17, $0xA  }
0x32: {  	s18 =	smulhi.u32 @!p1 $0x28F5C3, s17;
	_ =	sdelay $0x1  }
0x33: {  	s18 =	sshrl.u32 @!p1 s18, $0x5  }
0x34: {  	s18 =	smul.u32 @!p1 $0xC800, s18  }
0x35: {  	s31 =	sadd.s32 $0xFFFFFFFF, s15;
	s19 =	sxor.u32 @!p1 $0xFFFFFFFF, s15;
	s20 =	sshll.u32 @!p1 s13, $0x4  }
0x36: {  	s19 =	sshll.u32 @!p1 s19, $0xE;
	s17 =	ssub.s32 @!p1 s17, s18;
	s18 =	sand.u32 @!p1 $0x70, s20  }
0x37: {  	s19 =	sand.u32 @!p1 $0x4000, s19;
	s17 =	sshll.u32 @!p1 s17, $0x7;
	s18 =	sadd.s32 @!p1 s4, s18  }
0x38: {  	s20 =	simm.s32 @!p1 $0x2000;
	s17 =	sadd.s32 @!p1 s17, s18;
	s18 =	simm.s32 @!p1 $0x400  }
0x39: {  	[tilespmem:s19], [sflag:$0x1] =	stream.strided.gather @!p1 [hbm4b:s17+s18], $0x4000, s20, s18, $0x38;
	[tilespmem:$0x10100] =	vst v63  }
0x3a: {  	p1 =	sge.u32 s31, s7  }
.Ltmp2:
0x3b: {  	_ = 	snop;
	(pc) =	sbr.rel @p1 .LBB1_5-.Ltmp2, $1  }
0x3c: {  	_ =	sdelay $0x3  }
0x3d: {  	s17 =	simm.s32 $0x1  }
0x3e: {  	_ =	swait.ge [sflag:s5], $0x4000;
	s17 =	simm.s32 @!p0 $0x0  }
0x3f: {  	[sflag:s5] =	ssyncset.done $0x0;
	s18 =	sshll.u32 s17, $0xE  }
0x40: {  	[sflag:s5] =	ssyncadd.s32 $0xFFFFC000;
	s18 =	sor.u32 $0x40, s18  }
0x41: {  	s17 =	smul.u32 $0x10200, s17;
	v0 =	vld [tilespmem:s18+$0x30]  }
0x42: {  	v1 =	vld [tilespmem:s18+$0xFFFFFFD0]  }
0x43: {  	s17 =	sshrl.u32 s17, $0x2;
	v5 =	vld [tilespmem:s18+$0xFFFFFFE0]  }
0x44: {  	v6 =	vld [tilespmem:s18+$0xFFFFFFF0];
	s19 =	sor.u32 $0x8000, s17  }
0x45: {  	s31 =	sand.u32 $0x1, s15;
	v4 =	vld [tilespmem:s18+$0x0];
	s20 =	sadd.s32 $0x0, s19  }
0x46: {  	v3 =	vld [tilespmem:s18+$0x10];
	s17 =	smul.u32 $0x10200, s31;
	[tilespmem:s20+$0x3870 ss:$0x81] =	vst.msk $0xffff, v0  }
0x47: {  	v2 =	vld [tilespmem:s18+$0x20];
	[tilespmem:s20+$0x810 ss:$0x81] =	vst.msk $0xffff, v1  }
0x48: {  	s17 =	sshrl.u32 s17, $0x2;
	v0 =	vld [tilespmem:s18+$0xFFFFFFC0];
	[tilespmem:s20+$0x1020 ss:$0x81] =	vst.msk $0xffff, v5;
	s18 =	sadd.s32 $0x80, s18  }
0x49: {  	s21 =	simm.s32 $0x4;
	s22 =	simm.s32 $0x8;
	s17 =	sor.u32 $0x8000, s17;
	[tilespmem:s20+$0x1830 ss:$0x81] =	vst.msk $0xffff, v6;
	v1 =	vld [tilespmem:s18+$0x30]  }
.LBB1_3:
0x4a: {  	p1 =	sne.s32 s22, $0x1FC;
	v5 =	vld [tilespmem:s18+$0xFFFFFFD0];
	[tilespmem:s20+$0x2040 ss:$0x81] =	vst.msk $0xffff, v4  }
0x4b: {  	v6 =	vld [tilespmem:s18+$0xFFFFFFE0];
	[tilespmem:s20+$0x2850 ss:$0x81] =	vst.msk $0xffff, v3  }
0x4c: {  	s23 =	sshra.s32 s21, $0x2;
	s21 =	smov.u32 s22;
	v7 =	vld [tilespmem:s18+$0xFFFFFFF0];
	[tilespmem:s20+$0x3060 ss:$0x81] =	vst.msk $0xffff, v2  }
.Ltmp3:
0x4d: {  	v4 =	vld [tilespmem:s18+$0x0];
	[tilespmem:s20+$0x0 ss:$0x81] =	vst.msk $0xffff, v0;
	s20 =	sadd.s32 s23, s19;
	(pc) =	sbr.rel @p1 .LBB1_3-.Ltmp3, $4  }
0x4e: {  	v3 =	vld [tilespmem:s18+$0x10];
	[tilespmem:s20+$0x3870 ss:$0x81] =	vst.msk $0xffff, v1  }
0x4f: {  	[tilespmem:s20+$0x810 ss:$0x81] =	vst.msk $0xffff, v5;
	v2 =	vld [tilespmem:s18+$0x20]  }
0x50: {  	v0 =	vld [tilespmem:s18+$0xFFFFFFC0];
	[tilespmem:s20+$0x1020 ss:$0x81] =	vst.msk $0xffff, v6;
	s18 =	sadd.s32 $0x80, s18  }
0x51: {  	s22 =	sadd.s32 $0x4, s22;
	v1 =	vld [tilespmem:s18+$0x30];
	[tilespmem:s20+$0x1830 ss:$0x81] =	vst.msk $0xffff, v7  }
.Ltmp4:
0x52: {  	_ = 	snop;
	(pc) =	sbr.rel .LBB1_4-.Ltmp4, $1  }
0x53: {  	_ =	sdelay $0x3  }
.LBB1_6:
0x54: {  	_ =	sfence.sel $0x180000  }
0x55: {  	s2 =	simm.s32 $0x1;
	[bflag:$0x0] =	sbarrier.arrive $0xFFFF  }
0x56: {  	s31 =	simm.s32 $0x2;
	[sflag:s2] =	ssyncpa.u1 $0x1  }
0x57: {  	[sflag:s31] =	ssyncpa.u1 $0x1  }
0x58: {  	p0 =	sne.s32 s1, $0x0;
	_ =	strace $0x9000004A  }
0x59: {  	s0 =	sadd.s32 @!p0 $0x100000, s0;
	[bflag:$0x2] =	sbarrier.arrive $0xFFFF  }
0x5a: {  	[sflag:s0] =	ssyncadd.tile.s32 @!p0 $0x1;
	_ =	shalt  }
.Lfunc_end1:
_tile_overlayer_lowered:
.L_overlay_start_2:
0x5b: {  	(tag) =	ssettag $0x2  }
0x5c: {  	s0 =	rddreg [dreg:$0x0];
	s2 =	stileid.u32  }
0x5d: {  	s1 =	rddreg [dreg:$0x1];
	p0 =	sne.s32 s2, $0x0  }
0x5e: {  	s3 =	rddreg [dreg:$0x2];
	[bflag:$0x3] =	sbarrier.arrive $0xFFFF;
	s2 =	simm.s32 @!p0 $0x1C01  }
0x5f: {  	[timem:s3], [sflag:s2] =	dma.local @!p0 [hbm:s0], s1  }
0x60: {  	s0 =	simm.s32 @!p0 $0x1  }
0x61: {  	_ =	swait.ge @!p0 [sflag:s0], s1  }
0x62: {  	s1 =	ssub.s32 @!p0 $0x0, s1;
	[sflag:s0] =	ssyncset.done @!p0 $0x0  }
0x63: {  	[sflag:s0] =	ssyncadd.s32 @!p0 s1  }
0x64: {  	[bflag:$0x3] =	sbarrier.arrive $0xFFFF  }
0x65: {  	_ =	shalt  }

</sc_bundles>
